<compile_context>
chip_gen: v7x
topology: tpu7x:2x2x1
jax: 0.10.2.dev20260603
libtpu: 0.0.44.dev20260713+nightly
codegen_flags: <defaults>
</compile_context>

<pallas_src>
import functools
import math

import jax
import jax.numpy as jnp
from jax import lax
from jax.experimental import pallas as pl
from jax.experimental.pallas import tpu as pltpu
from jax.experimental.pallas import tpu_sc as plsc

_HIGHEST = lax.Precision.HIGHEST

_SC_CORES = 2
_SC_SUBCORES = 16
_SC_WORKERS = _SC_CORES * _SC_SUBCORES
_GATHER_CHUNK = 128
_PAD = 512


_GRP = 3


def _sc_gather_rows(table, idx_flat):
  h = table.shape[1]
  e = idx_flat.shape[0]
  n_chunks = e // _GATHER_CHUNK
  n_iters = (n_chunks + _SC_WORKERS - 1) // _SC_WORKERS

  mesh = plsc.VectorSubcoreMesh(core_axis_name="c", subcore_axis_name="s")

  @functools.partial(
      pl.kernel,
      mesh=mesh,
      out_type=jax.ShapeDtypeStruct((e, h), jnp.float32),
      scratch_types=[
          pltpu.VMEM((_GATHER_CHUNK,), jnp.int32),
          pltpu.VMEM((_GATHER_CHUNK, h), jnp.float32),
          pltpu.SemaphoreType.DMA,
      ],
  )
  def gather_kernel(table_hbm, idx_hbm, out_hbm, idx_v, rows_v, sem):
    wid = lax.axis_index("s") * _SC_CORES + lax.axis_index("c")

    def body(i, carry):
      cid = wid + i * _SC_WORKERS

      @pl.when(cid < n_chunks)
      def _():
        base = cid * _GATHER_CHUNK
        pltpu.sync_copy(idx_hbm.at[pl.ds(base, _GATHER_CHUNK)], idx_v)
        pltpu.async_copy(table_hbm.at[idx_v], rows_v, sem).wait()
        pltpu.sync_copy(rows_v, out_hbm.at[pl.ds(base, _GATHER_CHUNK)])

      return carry

    lax.fori_loop(0, n_iters, body, 0)

  return gather_kernel(table, idx_flat)


def _sc_gather_two(table_a, idx_a, table_b, idx_b):
  h = table_a.shape[1]
  e = idx_a.shape[0]
  assert e == idx_b.shape[0]
  n_chunks = e // _GATHER_CHUNK
  nw_side = _SC_WORKERS // 2
  n_groups_side = n_chunks // _GRP
  n_groups_w = n_groups_side // nw_side
  assert n_groups_w * nw_side * _GRP == n_chunks
  rows_grp = _GRP * _GATHER_CHUNK

  mesh = plsc.VectorSubcoreMesh(core_axis_name="c", subcore_axis_name="s")

  @functools.partial(
      pl.kernel,
      mesh=mesh,
      out_type=(jax.ShapeDtypeStruct((e, h), jnp.float32),
                jax.ShapeDtypeStruct((e, h), jnp.float32)),
      scratch_types=[
          pltpu.VMEM((2, rows_grp), jnp.int32),
          pltpu.VMEM((2, rows_grp, h), jnp.float32),
          pltpu.SemaphoreType.DMA,
          pltpu.SemaphoreType.DMA,
          pltpu.SemaphoreType.DMA,
          pltpu.SemaphoreType.DMA,
      ],
  )
  def gather_kernel(ta_hbm, ia_hbm, tb_hbm, ib_hbm, oa_hbm, ob_hbm,
                    idx_v, rows_v, sg0, sg1, ss0, ss1):
    wid = lax.axis_index("s") * _SC_CORES + lax.axis_index("c")

    def run_side(table_hbm, idx_hbm, out_hbm, lw):

      def load_idx(j, buf):
        pltpu.sync_copy(
            idx_hbm.at[pl.ds((lw + j * nw_side) * rows_grp, rows_grp)],
            idx_v.at[buf])

      def start_gathers(buf, sem):
        for s in range(_GRP):
          pltpu.async_copy(
              table_hbm.at[idx_v.at[buf, pl.ds(s * _GATHER_CHUNK,
                                               _GATHER_CHUNK)]],
              rows_v.at[buf, pl.ds(s * _GATHER_CHUNK, _GATHER_CHUNK)],
              sem)

      def drain_gathers(buf, sem):
        for s in range(_GRP):
          pltpu.make_async_copy(
              table_hbm.at[pl.ds(0, _GATHER_CHUNK)],
              rows_v.at[buf, pl.ds(s * _GATHER_CHUNK, _GATHER_CHUNK)],
              sem).wait()

      def store(j, buf, sem):
        pltpu.async_copy(
            rows_v.at[buf],
            out_hbm.at[pl.ds((lw + j * nw_side) * rows_grp, rows_grp)],
            sem)

      def wait_store(buf, sem):
        pltpu.make_async_copy(table_hbm.at[pl.ds(0, rows_grp)],
                              rows_v.at[buf], sem).wait()

      load_idx(0, 0)
      start_gathers(0, sg0)
      load_idx(1, 1)
      start_gathers(1, sg1)

      def body(jj, carry):
        j0 = jj * 2
        j1 = jj * 2 + 1
        drain_gathers(0, sg0)
        store(j0, 0, ss0)

        @pl.when(j0 + 2 < n_groups_w)
        def _():
          wait_store(0, ss0)
          load_idx(j0 + 2, 0)
          start_gathers(0, sg0)

        drain_gathers(1, sg1)
        store(j1, 1, ss1)

        @pl.when(j1 + 2 < n_groups_w)
        def _():
          wait_store(1, ss1)
          load_idx(j1 + 2, 1)
          start_gathers(1, sg1)

        return carry

      lax.fori_loop(0, n_groups_w // 2, body, 0)
      if n_groups_w % 2:
        drain_gathers(0, sg0)
        store(n_groups_w - 1, 0, ss0)
      wait_store(0, ss0)
      wait_store(1, ss1)

    @pl.when(wid < nw_side)
    def _():
      run_side(ta_hbm, ia_hbm, oa_hbm, wid)

    @pl.when(wid >= nw_side)
    def _():
      run_side(tb_hbm, ib_hbm, ob_hbm, wid - nw_side)

  return gather_kernel(table_a, idx_a, table_b, idx_b)


def _project(x, w):
  n, k = x.shape
  k2, m = w.shape
  b = 1024 if n % 1024 == 0 else 512

  def body(x_ref, w_ref, o_ref):
    o_ref[...] = jnp.dot(x_ref[...], w_ref[...], precision=_HIGHEST,
                         preferred_element_type=jnp.float32)

  return pl.pallas_call(
      body,
      grid=(n // b,),
      in_specs=[
          pl.BlockSpec((b, k), lambda i: (i, 0)),
          pl.BlockSpec((k2, m), lambda i: (0, 0)),
      ],
      out_specs=pl.BlockSpec((b, m), lambda i: (i, 0)),
      out_shape=jax.ShapeDtypeStruct((n, m), jnp.float32),
      compiler_params=pltpu.CompilerParams(
          dimension_semantics=("parallel",)),
  )(x, w)


def _sort_indices(time_t, idx_t):
  d, n = time_t.shape
  b = 512

  def body(tt_ref, idxt_ref, out_ref):
    tt = tt_ref[...]
    idxt = idxt_ref[...]
    te = tt[:, None, :]
    tj = tt[None, :, :]
    ii = lax.broadcasted_iota(jnp.int32, (d, d, b), 0)
    jj = lax.broadcasted_iota(jnp.int32, (d, d, b), 1)
    less = jnp.where((tj < te) | ((tj == te) & (jj < ii)),
                     jnp.int32(1), jnp.int32(0))
    rank_t = jnp.sum(less, axis=1)
    slot_t = jnp.int32(d - 1) - rank_t
    rows = []
    for r in range(d):
      picked = jnp.where(slot_t == r, idxt, jnp.int32(0))
      rows.append(jnp.sum(picked, axis=0, keepdims=True))
    tmax = jnp.max(tt, axis=0, keepdims=True)
    ties = jnp.sum(jnp.where(tt == tmax, jnp.int32(1), jnp.int32(0)),
                   axis=0, keepdims=True)
    picked = jnp.where(slot_t == ties - jnp.int32(1), idxt, jnp.int32(0))
    rows.append(jnp.sum(picked, axis=0, keepdims=True))
    out_ref[...] = jnp.concatenate(rows, axis=0)

  return pl.pallas_call(
      body,
      grid=(n // b,),
      in_specs=[
          pl.BlockSpec((d, b), lambda i: (0, i)),
          pl.BlockSpec((d, b), lambda i: (0, i)),
      ],
      out_specs=pl.BlockSpec((d + 1, b), lambda i: (0, i)),
      out_shape=jax.ShapeDtypeStruct((d + 1, n), jnp.int32),
      compiler_params=pltpu.CompilerParams(
          dimension_semantics=("parallel",)),
  )(time_t, idx_t)


def _reduce_update(mb_t, dst_h, emb_d, embk_d, w_agg, dst_raw, w_upd):
  d1, n, h = mb_t.shape
  d = d1 - 1
  b = 512
  inv_sqrt_h = 1.0 / math.sqrt(h)

  def body(mb_ref, dsth_ref, embd_ref, embkd_ref, wagg_ref,
           draw_ref, wupd_ref, out_ref):
    dsth = dsth_ref[...]
    last_emb = mb_ref[d]

    p_bn = lax.dot_general(dsth, embd_ref[...], (((1,), (1,)), ((), ())),
                           precision=_HIGHEST,
                           preferred_element_type=jnp.float32)

    dm_cols = []
    e1_cols = []
    for r in range(d):
      mbp = mb_ref[r]
      dm_cols.append(jnp.sum(mbp * dsth, axis=1, keepdims=True))
      e1_cols.append(jnp.sum(mbp * last_emb, axis=1, keepdims=True))
    dot_mb = jnp.concatenate(dm_cols, axis=1)

    e_ui = (p_bn + dot_mb) * inv_sqrt_h
    ex0 = jnp.exp(e_ui - jnp.max(e_ui, axis=1, keepdims=True))
    alpha = ex0 / jnp.sum(ex0, axis=1, keepdims=True)

    e1 = jnp.concatenate(e1_cols, axis=1) * inv_sqrt_h
    ex1 = jnp.exp(e1 - jnp.max(e1, axis=1, keepdims=True))
    alpha1 = ex1 / jnp.sum(ex1, axis=1, keepdims=True)

    h_long = lax.dot_general(alpha, embkd_ref[...], (((1,), (0,)), ((), ())),
                             precision=_HIGHEST,
                             preferred_element_type=jnp.float32)
    h_short = jnp.zeros((b, h), jnp.float32)
    for r in range(d):
      mbp = mb_ref[r]
      h_long = h_long + alpha[:, r:r + 1] * mbp
      h_short = h_short + alpha1[:, r:r + 1] * mbp

    agg = (jnp.dot(h_long, wagg_ref[0:h, :], precision=_HIGHEST,
                   preferred_element_type=jnp.float32) +
           jnp.dot(h_short, wagg_ref[h:2 * h, :], precision=_HIGHEST,
                   preferred_element_type=jnp.float32))
    out_ref[...] = jnp.tanh(
        jnp.dot(agg, wupd_ref[0:h, :], precision=_HIGHEST,
                preferred_element_type=jnp.float32) +
        jnp.dot(draw_ref[...], wupd_ref[h:2 * h, :], precision=_HIGHEST,
                preferred_element_type=jnp.float32))

  return pl.pallas_call(
      body,
      grid=(n // b,),
      in_specs=[
          pl.BlockSpec((d1, b, h), lambda i: (0, i, 0)),
          pl.BlockSpec((b, h), lambda i: (i, 0)),
          pl.BlockSpec((d, h), lambda i: (0, 0)),
          pl.BlockSpec((d, h), lambda i: (0, 0)),
          pl.BlockSpec((2 * h, h), lambda i: (0, 0)),
          pl.BlockSpec((b, h), lambda i: (i, 0)),
          pl.BlockSpec((2 * h, h), lambda i: (0, 0)),
      ],
      out_specs=pl.BlockSpec((b, h), lambda i: (i, 0)),
      out_shape=jax.ShapeDtypeStruct((n, h), jnp.float32),
      compiler_params=pltpu.CompilerParams(
          dimension_semantics=("parallel",)),
  )(mb_t, dst_h, emb_d, embk_d, w_agg, dst_raw, w_upd)


def kernel(user, item, by_src, by_time, pby_src, pby_time, W_user, W_recipe,
           W_user_update, W_recipe_update, W_agg_user, W_agg_recipe,
           user_date_emb, user_date_emb_k, recipe_date_emb,
           recipe_date_emb_k):
  nu, h = user.shape
  ni = item.shape[0]
  d = by_src.shape[1]
  npad_u = (-nu) % _PAD
  npad_i = (-ni) % _PAD

  user_p = jnp.pad(user, ((0, npad_u), (0, 0)))
  item_p = jnp.pad(item, ((0, npad_i), (0, 0)))
  by_time_p = jnp.pad(by_time, ((0, npad_u), (0, 0)))
  pby_time_p = jnp.pad(pby_time, ((0, npad_i), (0, 0)))
  by_src_t = jnp.pad(by_src, ((0, npad_u), (0, 0))).T.astype(jnp.int32)
  pby_src_t = jnp.pad(pby_src, ((0, npad_i), (0, 0))).T.astype(jnp.int32)

  user_h = _project(user_p, W_user)
  item_h = _project(item_p, W_recipe)

  idx_u_t = _sort_indices(by_time_p.T, by_src_t)
  idx_i_t = _sort_indices(pby_time_p.T, pby_src_t)
  nup = nu + npad_u
  nip = ni + npad_i
  mb_u_flat = _sc_gather_rows(item_h, idx_u_t.reshape(-1))
  dep = (mb_u_flat[0, 0] * 0.0).astype(jnp.int32)
  mb_i_flat = _sc_gather_rows(user_h, idx_i_t.reshape(-1) + dep)
  mb_u = mb_u_flat.reshape(d + 1, nup, h)
  mb_i = mb_i_flat.reshape(d + 1, nip, h)

  user_out = _reduce_update(mb_u, user_h, user_date_emb[:d],
                            user_date_emb_k[:d], W_agg_user, user_p,
                            W_user_update)
  item_out = _reduce_update(mb_i, item_h, recipe_date_emb[:d],
                            recipe_date_emb_k[:d], W_agg_recipe, item_p,
                            W_recipe_update)
  return (user_out[:nu], item_out[:ni])

# --- scband reference (transcript-rebuilt; emitter-appended) ---
"""Pipeline reference for scband-dsgrlayers-14972255993989 (READ-ONLY COPY).

The authoritative reference and input builder live on the scoring server;
editing this copy changes nothing except your own understanding.
"""

import jax, jax.numpy as jnp
import numpy as np

NU = 10000
NI = 10000
D = 32
H = 128
EMB_LEN = 50


def setup_inputs(seed: int = 0) -> dict:
    key = jax.random.key(seed)
    ks = jax.random.split(key, 20)
    s = 1.0 / np.sqrt(H)
    s2 = 1.0 / np.sqrt(2 * H)
    inp = {}
    inp['user'] = jax.random.normal(ks[0], (NU, H), jnp.float32)
    inp['item'] = jax.random.normal(ks[1], (NI, H), jnp.float32)
    inp['by_src'] = jax.random.randint(ks[2], (NU, D), 0, NI, jnp.int64) if jax.config.jax_enable_x64 else jax.random.randint(ks[2], (NU, D), 0, NI).astype(jnp.int32)
    inp['by_time'] = jax.random.uniform(ks[3], (NU, D), jnp.float32)
    inp['pby_src'] = jax.random.randint(ks[4], (NI, D), 0, NU).astype(jnp.int32)
    inp['by_src'] = jax.random.randint(ks[2], (NU, D), 0, NI).astype(jnp.int32)
    inp['pby_time'] = jax.random.uniform(ks[5], (NI, D), jnp.float32)
    inp['W_user'] = jax.random.normal(ks[6], (H, H), jnp.float32) * s
    inp['W_recipe'] = jax.random.normal(ks[7], (H, H), jnp.float32) * s
    inp['W_user_update'] = jax.random.normal(ks[8], (2 * H, H), jnp.float32) * s2
    inp['W_recipe_update'] = jax.random.normal(ks[9], (2 * H, H), jnp.float32) * s2
    inp['W_agg_user'] = jax.random.normal(ks[10], (2 * H, H), jnp.float32) * s2
    inp['W_agg_recipe'] = jax.random.normal(ks[11], (2 * H, H), jnp.float32) * s2
    inp['user_date_emb'] = jax.random.normal(ks[12], (EMB_LEN, H), jnp.float32) * 0.02
    inp['user_date_emb_k'] = jax.random.normal(ks[13], (EMB_LEN, H), jnp.float32) * 0.02
    inp['recipe_date_emb'] = jax.random.normal(ks[14], (EMB_LEN, H), jnp.float32) * 0.02
    inp['recipe_date_emb_k'] = jax.random.normal(ks[15], (EMB_LEN, H), jnp.float32) * 0.02
    return inp


def _reduce(mb_src_h, dst_h, time, emb, emb_k, W_agg):
    # mailbox reduce (regular degree D):
    order = jnp.argsort(jnp.argsort(time, axis=1), axis=1)
    reorder = time.shape[1] - order - 1
    lt_1 = (emb[reorder] + mb_src_h) * dst_h[:, None, :]
    e_ui = jnp.sum(lt_1, axis=2) / jnp.sqrt(jnp.float32(H))
    alpha = jax.nn.softmax(e_ui, axis=1)[..., None]
    h_long = jnp.sum(alpha * (mb_src_h + emb_k[reorder]), axis=1)
    last = jnp.argmax(time, axis=1)
    last_emb = jnp.take_along_axis(mb_src_h, last[:, None, None], axis=1)
    e_ui1 = jnp.sum(last_emb * mb_src_h, axis=2) / jnp.sqrt(jnp.float32(H))
    alpha1 = jax.nn.softmax(e_ui1, axis=1)[..., None]
    h_short = jnp.sum(alpha1 * mb_src_h, axis=1)
    return jnp.concatenate([h_long, h_short], axis=-1) @ W_agg


def reference(user, item, by_src, by_time, pby_src, pby_time,
              W_user, W_recipe, W_user_update, W_recipe_update,
              W_agg_user, W_agg_recipe,
              user_date_emb, user_date_emb_k, recipe_date_emb, recipe_date_emb_k):
    # dropout probs are 0.0 -> identity
    user_h = user @ W_user
    item_h = item @ W_recipe
    # 'by' edges: item -> user; mailbox gather of src item features per dst user
    item_mb = jnp.take(item_h, by_src, axis=0)  # [NU, D, H]
    user_agg = _reduce(item_mb, user_h, by_time, user_date_emb, user_date_emb_k, W_agg_user)
    # 'pby' edges: user -> item
    user_mb = jnp.take(user_h, pby_src, axis=0)  # [NI, D, H]
    item_agg = _reduce(user_mb, item_h, pby_time, recipe_date_emb, recipe_date_emb_k, W_agg_recipe)
    user_out = jnp.tanh(jnp.concatenate([user_agg, user], axis=-1) @ W_user_update)
    item_out = jnp.tanh(jnp.concatenate([item_agg, item], axis=-1) @ W_recipe_update)
    return (user_out, item_out)

if __name__ == "__main__":
    import jax
    _d = setup_inputs()
    print(jax.jit(kernel)(*tuple(_d.values())))

</pallas_src>

<mosaic_0001>
#map = affine_map<(d0, d1) -> (0, 0)>
#map1 = affine_map<(d0, d1) -> (0)>
module attributes {stable_mosaic.version = 14 : i64} {
  func.func @gather_kernel(%arg0: i32, %arg1: i32, %arg2: memref<10240x128xf32, #tpu.memory_space<hbm>>, %arg3: memref<337920xi32, #tpu.memory_space<hbm>>, %arg4: memref<337920x128xf32, #tpu.memory_space<hbm>>, %arg5: memref<128xi32, #tpu.memory_space<vmem>>, %arg6: memref<128x128xf32, #tpu.memory_space<vmem>>, %arg7: memref<!tpu.dma_semaphore, #tpu.memory_space<semaphore_mem>>) attributes {dimension_semantics = [#tpu.dimension_semantics<core_parallel>, #tpu.dimension_semantics<subcore_parallel>], iteration_bounds = array<i64: 2, 16>, scalar_prefetch = 0 : i64, scratch_operands = 3 : i64, tpu.core_type = #tpu.core_type<sc_vector_subcore>, window_params = [{transform_indices = #map}, {transform_indices = #map1}, {transform_indices = #map}]} {
    %mul3A = arith.constant 2 : i32
    %mul3A_0 = arith.muli %arg1, %mul3A : i32
    %add3A = arith.addi %mul3A_0, %arg0 : i32
    %scan3A = arith.constant 0 : i32
    %scan3A_1 = arith.constant 0 : i32
    %scan3A_2 = arith.constant 83 : i32
    %scan3A_3 = arith.addi %scan3A_1, %scan3A_2 : i32
    %scan3A_4 = arith.constant 1 : i32
    scf.for %scan3A_6 = %scan3A_1 to %scan3A_3 step %scan3A_4  : i32 {
      %mul3A_7 = arith.constant 32 : i32
      %mul3A_8 = arith.muli %scan3A_6, %mul3A_7 : i32
      %add3A_9 = arith.addi %add3A, %mul3A_8 : i32
      %lt3A = arith.constant 2640 : i32
      %lt3A_10 = arith.cmpi slt, %add3A_9, %lt3A : i32
      %convert_element_type3A = arith.extui %lt3A_10 : i1 to i32
      %cond3A = arith.constant 0 : i32
      %cond3A_11 = arith.cmpi ne, %convert_element_type3A, %cond3A : i32
      scf.if %cond3A_11 {
        %mul3A_12 = arith.constant 128 : i32
        %mul3A_13 = arith.muli %add3A_9, %mul3A_12 : i32
        "tpu.region"() ({
          %run_scoped3A = tpu.sem_alloc : memref<!tpu.dma_semaphore, #tpu.memory_space<semaphore_mem>>
          %dma_start3A_18 = tpu.memref_slice %arg3[%mul3A_13] : memref<337920xi32, #tpu.memory_space<hbm>> -> memref<128xi32, #tpu.memory_space<hbm>>
          %dma_start3A_19 = tpu.memref_slice %arg3[%mul3A_13] : memref<337920xi32, #tpu.memory_space<hbm>> -> memref<128xi32, #tpu.memory_space<hbm>>
          tpu.enqueue_dma source(%dma_start3A_19 : memref<128xi32, #tpu.memory_space<hbm>>) target(%arg5 : memref<128xi32, #tpu.memory_space<vmem>>) target_semaphore(%run_scoped3A : memref<!tpu.dma_semaphore, #tpu.memory_space<semaphore_mem>>)
          %dma_wait3A_20 = tpu.memref_slice %arg3[%mul3A_13] : memref<337920xi32, #tpu.memory_space<hbm>> -> memref<128xi32, #tpu.memory_space<hbm>>
          %dma_wait3A_21 = tpu.memref_slice %arg3[%mul3A_13] : memref<337920xi32, #tpu.memory_space<hbm>> -> memref<128xi32, #tpu.memory_space<hbm>>
          tpu.wait_dma2 semaphore(%run_scoped3A : memref<!tpu.dma_semaphore, #tpu.memory_space<semaphore_mem>>) src(%dma_wait3A_21 : memref<128xi32, #tpu.memory_space<hbm>>) dst(%arg5 : memref<128xi32, #tpu.memory_space<vmem>>)
          tpu.yield
        }) : () -> ()
        %dma_start3A = arith.constant 0 : i32
        %dma_start3A_14 = arith.constant 0 : i32
        %dma_start3A_15 = tpu.memref_slice %arg2[%dma_start3A, %dma_start3A_14] : memref<10240x128xf32, #tpu.memory_space<hbm>> -> memref<10240x128xf32, #tpu.memory_space<hbm>>
        tpu.enqueue_indirect_dma source(%dma_start3A_15 : memref<10240x128xf32, #tpu.memory_space<hbm>>) target(%arg6 : memref<128x128xf32, #tpu.memory_space<vmem>>) offsets(%arg5 : memref<128xi32, #tpu.memory_space<vmem>>) semaphore(%arg7 : memref<!tpu.dma_semaphore, #tpu.memory_space<semaphore_mem>>)
        %dma_wait3A = arith.constant 0 : i32
        %dma_wait3A_16 = arith.constant 0 : i32
        %dma_wait3A_17 = tpu.memref_slice %arg2[%dma_wait3A, %dma_wait3A_16] : memref<10240x128xf32, #tpu.memory_space<hbm>> -> memref<10240x128xf32, #tpu.memory_space<hbm>>
        tpu.wait_indirect_dma semaphore(%arg7 : memref<!tpu.dma_semaphore, #tpu.memory_space<semaphore_mem>>) src(%dma_wait3A_17 : memref<10240x128xf32, #tpu.memory_space<hbm>>) dst(%arg6 : memref<128x128xf32, #tpu.memory_space<vmem>>)
        "tpu.region"() ({
          %run_scoped3A = tpu.sem_alloc : memref<!tpu.dma_semaphore, #tpu.memory_space<semaphore_mem>>
          %dma_start3A_18 = arith.constant 0 : i32
          %dma_start3A_19 = tpu.memref_slice %arg4[%mul3A_13, %dma_start3A_18] : memref<337920x128xf32, #tpu.memory_space<hbm>> -> memref<128x128xf32, #tpu.memory_space<hbm>>
          %dma_start3A_20 = arith.constant 0 : i32
          %dma_start3A_21 = tpu.memref_slice %arg4[%mul3A_13, %dma_start3A_20] : memref<337920x128xf32, #tpu.memory_space<hbm>> -> memref<128x128xf32, #tpu.memory_space<hbm>>
          tpu.enqueue_dma source(%arg6 : memref<128x128xf32, #tpu.memory_space<vmem>>) target(%dma_start3A_21 : memref<128x128xf32, #tpu.memory_space<hbm>>) target_semaphore(%run_scoped3A : memref<!tpu.dma_semaphore, #tpu.memory_space<semaphore_mem>>)
          %dma_wait3A_22 = arith.constant 0 : i32
          %dma_wait3A_23 = tpu.memref_slice %arg4[%mul3A_13, %dma_wait3A_22] : memref<337920x128xf32, #tpu.memory_space<hbm>> -> memref<128x128xf32, #tpu.memory_space<hbm>>
          %dma_wait3A_24 = arith.constant 0 : i32
          %dma_wait3A_25 = tpu.memref_slice %arg4[%mul3A_13, %dma_wait3A_24] : memref<337920x128xf32, #tpu.memory_space<hbm>> -> memref<128x128xf32, #tpu.memory_space<hbm>>
          tpu.wait_dma2 semaphore(%run_scoped3A : memref<!tpu.dma_semaphore, #tpu.memory_space<semaphore_mem>>) src(%arg6 : memref<128x128xf32, #tpu.memory_space<vmem>>) dst(%dma_wait3A_25 : memref<128x128xf32, #tpu.memory_space<hbm>>)
          tpu.yield
        }) : () -> ()
      } else {
      }
    }
    %scan3A_5 = arith.constant 83 : i32
    return
  }
}

#map = affine_map<(d0, d1) -> (0, 0)>
#map1 = affine_map<(d0, d1) -> (0)>
module attributes {stable_mosaic.version = 14 : i64} {
  func.func @gather_kernel(%arg0: i32, %arg1: i32, %arg2: memref<10240x128xf32, #tpu.memory_space<hbm>>, %arg3: memref<337920xi32, #tpu.memory_space<hbm>>, %arg4: memref<337920x128xf32, #tpu.memory_space<hbm>>, %arg5: memref<128xi32, #tpu.memory_space<vmem>>, %arg6: memref<128x128xf32, #tpu.memory_space<vmem>>, %arg7: memref<!tpu.dma_semaphore, #tpu.memory_space<semaphore_mem>>) attributes {dimension_semantics = [#tpu.dimension_semantics<core_parallel>, #tpu.dimension_semantics<subcore_parallel>], iteration_bounds = array<i64: 2, 16>, scalar_prefetch = 0 : i64, scratch_operands = 3 : i64, tpu.core_type = #tpu.core_type<sc_vector_subcore>, window_params = [{transform_indices = #map}, {transform_indices = #map1}, {transform_indices = #map}]} {
    %mul3A = arith.constant 2 : i32
    %mul3A_0 = arith.muli %arg1, %mul3A : i32
    %add3A = arith.addi %mul3A_0, %arg0 : i32
    %scan3A = arith.constant 0 : i32
    %scan3A_1 = arith.constant 0 : i32
    %scan3A_2 = arith.constant 83 : i32
    %scan3A_3 = arith.addi %scan3A_1, %scan3A_2 : i32
    %scan3A_4 = arith.constant 1 : i32
    scf.for %scan3A_6 = %scan3A_1 to %scan3A_3 step %scan3A_4  : i32 {
      %mul3A_7 = arith.constant 32 : i32
      %mul3A_8 = arith.muli %scan3A_6, %mul3A_7 : i32
      %add3A_9 = arith.addi %add3A, %mul3A_8 : i32
      %lt3A = arith.constant 2640 : i32
      %lt3A_10 = arith.cmpi slt, %add3A_9, %lt3A : i32
      %convert_element_type3A = arith.extui %lt3A_10 : i1 to i32
      %cond3A = arith.constant 0 : i32
      %cond3A_11 = arith.cmpi ne, %convert_element_type3A, %cond3A : i32
      scf.if %cond3A_11 {
        %mul3A_12 = arith.constant 128 : i32
        %mul3A_13 = arith.muli %add3A_9, %mul3A_12 : i32
        "tpu.region"() ({
          %run_scoped3A = tpu.sem_alloc : memref<!tpu.dma_semaphore, #tpu.memory_space<semaphore_mem>>
          %dma_start3A_18 = tpu.memref_slice %arg3[%mul3A_13] : memref<337920xi32, #tpu.memory_space<hbm>> -> memref<128xi32, #tpu.memory_space<hbm>>
          %dma_start3A_19 = tpu.memref_slice %arg3[%mul3A_13] : memref<337920xi32, #tpu.memory_space<hbm>> -> memref<128xi32, #tpu.memory_space<hbm>>
          tpu.enqueue_dma source(%dma_start3A_19 : memref<128xi32, #tpu.memory_space<hbm>>) target(%arg5 : memref<128xi32, #tpu.memory_space<vmem>>) target_semaphore(%run_scoped3A : memref<!tpu.dma_semaphore, #tpu.memory_space<semaphore_mem>>)
          %dma_wait3A_20 = tpu.memref_slice %arg3[%mul3A_13] : memref<337920xi32, #tpu.memory_space<hbm>> -> memref<128xi32, #tpu.memory_space<hbm>>
          %dma_wait3A_21 = tpu.memref_slice %arg3[%mul3A_13] : memref<337920xi32, #tpu.memory_space<hbm>> -> memref<128xi32, #tpu.memory_space<hbm>>
          tpu.wait_dma2 semaphore(%run_scoped3A : memref<!tpu.dma_semaphore, #tpu.memory_space<semaphore_mem>>) src(%dma_wait3A_21 : memref<128xi32, #tpu.memory_space<hbm>>) dst(%arg5 : memref<128xi32, #tpu.memory_space<vmem>>)
          tpu.yield
        }) : () -> ()
        %dma_start3A = arith.constant 0 : i32
        %dma_start3A_14 = arith.constant 0 : i32
        %dma_start3A_15 = tpu.memref_slice %arg2[%dma_start3A, %dma_start3A_14] : memref<10240x128xf32, #tpu.memory_space<hbm>> -> memref<10240x128xf32, #tpu.memory_space<hbm>>
        tpu.enqueue_indirect_dma source(%dma_start3A_15 : memref<10240x128xf32, #tpu.memory_space<hbm>>) target(%arg6 : memref<128x128xf32, #tpu.memory_space<vmem>>) offsets(%arg5 : memref<128xi32, #tpu.memory_space<vmem>>) semaphore(%arg7 : memref<!tpu.dma_semaphore, #tpu.memory_space<semaphore_mem>>)
        %dma_wait3A = arith.constant 0 : i32
        %dma_wait3A_16 = arith.constant 0 : i32
        %dma_wait3A_17 = tpu.memref_slice %arg2[%dma_wait3A, %dma_wait3A_16] : memref<10240x128xf32, #tpu.memory_space<hbm>> -> memref<10240x128xf32, #tpu.memory_space<hbm>>
        tpu.wait_indirect_dma semaphore(%arg7 : memref<!tpu.dma_semaphore, #tpu.memory_space<semaphore_mem>>) src(%dma_wait3A_17 : memref<10240x128xf32, #tpu.memory_space<hbm>>) dst(%arg6 : memref<128x128xf32, #tpu.memory_space<vmem>>)
        "tpu.region"() ({
          %run_scoped3A = tpu.sem_alloc : memref<!tpu.dma_semaphore, #tpu.memory_space<semaphore_mem>>
          %dma_start3A_18 = arith.constant 0 : i32
          %dma_start3A_19 = tpu.memref_slice %arg4[%mul3A_13, %dma_start3A_18] : memref<337920x128xf32, #tpu.memory_space<hbm>> -> memref<128x128xf32, #tpu.memory_space<hbm>>
          %dma_start3A_20 = arith.constant 0 : i32
          %dma_start3A_21 = tpu.memref_slice %arg4[%mul3A_13, %dma_start3A_20] : memref<337920x128xf32, #tpu.memory_space<hbm>> -> memref<128x128xf32, #tpu.memory_space<hbm>>
          tpu.enqueue_dma source(%arg6 : memref<128x128xf32, #tpu.memory_space<vmem>>) target(%dma_start3A_21 : memref<128x128xf32, #tpu.memory_space<hbm>>) target_semaphore(%run_scoped3A : memref<!tpu.dma_semaphore, #tpu.memory_space<semaphore_mem>>)
          %dma_wait3A_22 = arith.constant 0 : i32
          %dma_wait3A_23 = tpu.memref_slice %arg4[%mul3A_13, %dma_wait3A_22] : memref<337920x128xf32, #tpu.memory_space<hbm>> -> memref<128x128xf32, #tpu.memory_space<hbm>>
          %dma_wait3A_24 = arith.constant 0 : i32
          %dma_wait3A_25 = tpu.memref_slice %arg4[%mul3A_13, %dma_wait3A_24] : memref<337920x128xf32, #tpu.memory_space<hbm>> -> memref<128x128xf32, #tpu.memory_space<hbm>>
          tpu.wait_dma2 semaphore(%run_scoped3A : memref<!tpu.dma_semaphore, #tpu.memory_space<semaphore_mem>>) src(%arg6 : memref<128x128xf32, #tpu.memory_space<vmem>>) dst(%dma_wait3A_25 : memref<128x128xf32, #tpu.memory_space<hbm>>)
          tpu.yield
        }) : () -> ()
      } else {
      }
    }
    %scan3A_5 = arith.constant 83 : i32
    return
  }
}

module attributes {stable_mosaic.version = 14 : i64} {
  func.func @body(%arg0: i32, %arg1: memref<32x512xf32, #tpu.memory_space<vmem>>, %arg2: memref<32x512xi32, #tpu.memory_space<vmem>>, %arg3: memref<33x512xi32, #tpu.memory_space<vmem>>) attributes {dimension_semantics = [#tpu.dimension_semantics<parallel>], iteration_bounds = array<i64: 20>, scalar_prefetch = 0 : i64, scratch_operands = 0 : i64, tpu.core_type = #tpu.core_type<tc>, window_params = [{transform_indices = @transform_0, window_bounds = array<i64: 32, 512>}, {transform_indices = @transform_1, window_bounds = array<i64: 32, 512>}, {transform_indices = @transform_2, window_bounds = array<i64: 33, 512>}]} {
    %get3A = arith.constant 0 : index
    %get3A_0 = arith.constant 0 : index
    %get3A_1 = vector.load %arg1[%get3A, %get3A_0] : memref<32x512xf32, #tpu.memory_space<vmem>>, vector<32x512xf32>
    %get3A_2 = arith.constant 0 : index
    %get3A_3 = arith.constant 0 : index
    %get3A_4 = vector.load %arg2[%get3A_2, %get3A_3] : memref<32x512xi32, #tpu.memory_space<vmem>>, vector<32x512xi32>
    %broadcast_in_dim3A = vector.shape_cast %get3A_1 : vector<32x512xf32> to vector<32x1x512xf32>
    %broadcast_in_dim3A_5 = vector.shape_cast %get3A_1 : vector<32x512xf32> to vector<1x32x512xf32>
    %iota3A = tpu.iota {dimensions = array<i32: 0>} : vector<32x32x512xi32>
    %iota3A_6 = tpu.iota {dimensions = array<i32: 1>} : vector<32x32x512xi32>
    %lt3A = vector.broadcast %broadcast_in_dim3A_5 : vector<1x32x512xf32> to vector<32x32x512xf32>
    %lt3A_7 = vector.broadcast %broadcast_in_dim3A : vector<32x1x512xf32> to vector<32x32x512xf32>
    %lt3A_8 = arith.cmpf olt, %lt3A, %lt3A_7 : vector<32x32x512xf32>
    %eq3A = vector.broadcast %broadcast_in_dim3A_5 : vector<1x32x512xf32> to vector<32x32x512xf32>
    %eq3A_9 = vector.broadcast %broadcast_in_dim3A : vector<32x1x512xf32> to vector<32x32x512xf32>
    %eq3A_10 = arith.cmpf oeq, %eq3A, %eq3A_9 : vector<32x32x512xf32>
    %lt3A_11 = arith.cmpi slt, %iota3A_6, %iota3A : vector<32x32x512xi32>
    %and3A = arith.andi %eq3A_10, %lt3A_11 : vector<32x32x512xi1>
    %or3A = arith.ori %lt3A_8, %and3A : vector<32x32x512xi1>
    %jit3A = arith.constant 1 : i32
    %jit3A_12 = arith.constant 0 : i32
    %broadcast_in_dim3A_13 = vector.broadcast %jit3A : i32 to vector<32x32x512xi32>
    %broadcast_in_dim3A_14 = vector.broadcast %jit3A_12 : i32 to vector<32x32x512xi32>
    %select_n3A = arith.select %or3A, %broadcast_in_dim3A_13, %broadcast_in_dim3A_14 : vector<32x32x512xi1>, vector<32x32x512xi32>
    %reduce_sum3A = arith.constant dense<0> : vector<32x512xi32>
    %reduce_sum3A_15 = vector.multi_reduction <add>, %select_n3A, %reduce_sum3A [1] : vector<32x32x512xi32> to vector<32x512xi32>
    %sub3A = arith.constant 31 : i32
    %sub3A_16 = vector.broadcast %sub3A : i32 to vector<32x512xi32>
    %sub3A_17 = arith.subi %sub3A_16, %reduce_sum3A_15 : vector<32x512xi32>
    %eq3A_18 = arith.constant 0 : i32
    %eq3A_19 = vector.broadcast %eq3A_18 : i32 to vector<32x512xi32>
    %eq3A_20 = arith.cmpi eq, %sub3A_17, %eq3A_19 : vector<32x512xi32>
    %jit3A_21 = arith.constant 0 : i32
    %broadcast_in_dim3A_22 = vector.broadcast %jit3A_21 : i32 to vector<32x512xi32>
    %select_n3A_23 = arith.select %eq3A_20, %get3A_4, %broadcast_in_dim3A_22 : vector<32x512xi1>, vector<32x512xi32>
    %reduce_sum3A_24 = arith.constant dense<0> : vector<512xi32>
    %reduce_sum3A_25 = vector.multi_reduction <add>, %select_n3A_23, %reduce_sum3A_24 [0] : vector<32x512xi32> to vector<512xi32>
    %broadcast_in_dim3A_26 = vector.shape_cast %reduce_sum3A_25 : vector<512xi32> to vector<1x512xi32>
    %eq3A_27 = arith.constant 1 : i32
    %eq3A_28 = vector.broadcast %eq3A_27 : i32 to vector<32x512xi32>
    %eq3A_29 = arith.cmpi eq, %sub3A_17, %eq3A_28 : vector<32x512xi32>
    %jit3A_30 = arith.constant 0 : i32
    %broadcast_in_dim3A_31 = vector.broadcast %jit3A_30 : i32 to vector<32x512xi32>
    %select_n3A_32 = arith.select %eq3A_29, %get3A_4, %broadcast_in_dim3A_31 : vector<32x512xi1>, vector<32x512xi32>
    %reduce_sum3A_33 = arith.constant dense<0> : vector<512xi32>
    %reduce_sum3A_34 = vector.multi_reduction <add>, %select_n3A_32, %reduce_sum3A_33 [0] : vector<32x512xi32> to vector<512xi32>
    %broadcast_in_dim3A_35 = vector.shape_cast %reduce_sum3A_34 : vector<512xi32> to vector<1x512xi32>
    %eq3A_36 = arith.constant 2 : i32
    %eq3A_37 = vector.broadcast %eq3A_36 : i32 to vector<32x512xi32>
    %eq3A_38 = arith.cmpi eq, %sub3A_17, %eq3A_37 : vector<32x512xi32>
    %jit3A_39 = arith.constant 0 : i32
    %broadcast_in_dim3A_40 = vector.broadcast %jit3A_39 : i32 to vector<32x512xi32>
    %select_n3A_41 = arith.select %eq3A_38, %get3A_4, %broadcast_in_dim3A_40 : vector<32x512xi1>, vector<32x512xi32>
    %reduce_sum3A_42 = arith.constant dense<0> : vector<512xi32>
    %reduce_sum3A_43 = vector.multi_reduction <add>, %select_n3A_41, %reduce_sum3A_42 [0] : vector<32x512xi32> to vector<512xi32>
    %broadcast_in_dim3A_44 = vector.shape_cast %reduce_sum3A_43 : vector<512xi32> to vector<1x512xi32>
    %eq3A_45 = arith.constant 3 : i32
    %eq3A_46 = vector.broadcast %eq3A_45 : i32 to vector<32x512xi32>
    %eq3A_47 = arith.cmpi eq, %sub3A_17, %eq3A_46 : vector<32x512xi32>
    %jit3A_48 = arith.constant 0 : i32
    %broadcast_in_dim3A_49 = vector.broadcast %jit3A_48 : i32 to vector<32x512xi32>
    %select_n3A_50 = arith.select %eq3A_47, %get3A_4, %broadcast_in_dim3A_49 : vector<32x512xi1>, vector<32x512xi32>
    %reduce_sum3A_51 = arith.constant dense<0> : vector<512xi32>
    %reduce_sum3A_52 = vector.multi_reduction <add>, %select_n3A_50, %reduce_sum3A_51 [0] : vector<32x512xi32> to vector<512xi32>
    %broadcast_in_dim3A_53 = vector.shape_cast %reduce_sum3A_52 : vector<512xi32> to vector<1x512xi32>
    %eq3A_54 = arith.constant 4 : i32
    %eq3A_55 = vector.broadcast %eq3A_54 : i32 to vector<32x512xi32>
    %eq3A_56 = arith.cmpi eq, %sub3A_17, %eq3A_55 : vector<32x512xi32>
    %jit3A_57 = arith.constant 0 : i32
    %broadcast_in_dim3A_58 = vector.broadcast %jit3A_57 : i32 to vector<32x512xi32>
    %select_n3A_59 = arith.select %eq3A_56, %get3A_4, %broadcast_in_dim3A_58 : vector<32x512xi1>, vector<32x512xi32>
    %reduce_sum3A_60 = arith.constant dense<0> : vector<512xi32>
    %reduce_sum3A_61 = vector.multi_reduction <add>, %select_n3A_59, %reduce_sum3A_60 [0] : vector<32x512xi32> to vector<512xi32>
    %broadcast_in_dim3A_62 = vector.shape_cast %reduce_sum3A_61 : vector<512xi32> to vector<1x512xi32>
    %eq3A_63 = arith.constant 5 : i32
    %eq3A_64 = vector.broadcast %eq3A_63 : i32 to vector<32x512xi32>
    %eq3A_65 = arith.cmpi eq, %sub3A_17, %eq3A_64 : vector<32x512xi32>
    %jit3A_66 = arith.constant 0 : i32
    %broadcast_in_dim3A_67 = vector.broadcast %jit3A_66 : i32 to vector<32x512xi32>
    %select_n3A_68 = arith.select %eq3A_65, %get3A_4, %broadcast_in_dim3A_67 : vector<32x512xi1>, vector<32x512xi32>
    %reduce_sum3A_69 = arith.constant dense<0> : vector<512xi32>
    %reduce_sum3A_70 = vector.multi_reduction <add>, %select_n3A_68, %reduce_sum3A_69 [0] : vector<32x512xi32> to vector<512xi32>
    %broadcast_in_dim3A_71 = vector.shape_cast %reduce_sum3A_70 : vector<512xi32> to vector<1x512xi32>
    %eq3A_72 = arith.constant 6 : i32
    %eq3A_73 = vector.broadcast %eq3A_72 : i32 to vector<32x512xi32>
    %eq3A_74 = arith.cmpi eq, %sub3A_17, %eq3A_73 : vector<32x512xi32>
    %jit3A_75 = arith.constant 0 : i32
    %broadcast_in_dim3A_76 = vector.broadcast %jit3A_75 : i32 to vector<32x512xi32>
    %select_n3A_77 = arith.select %eq3A_74, %get3A_4, %broadcast_in_dim3A_76 : vector<32x512xi1>, vector<32x512xi32>
    %reduce_sum3A_78 = arith.constant dense<0> : vector<512xi32>
    %reduce_sum3A_79 = vector.multi_reduction <add>, %select_n3A_77, %reduce_sum3A_78 [0] : vector<32x512xi32> to vector<512xi32>
    %broadcast_in_dim3A_80 = vector.shape_cast %reduce_sum3A_79 : vector<512xi32> to vector<1x512xi32>
    %eq3A_81 = arith.constant 7 : i32
    %eq3A_82 = vector.broadcast %eq3A_81 : i32 to vector<32x512xi32>
    %eq3A_83 = arith.cmpi eq, %sub3A_17, %eq3A_82 : vector<32x512xi32>
    %jit3A_84 = arith.constant 0 : i32
    %broadcast_in_dim3A_85 = vector.broadcast %jit3A_84 : i32 to vector<32x512xi32>
    %select_n3A_86 = arith.select %eq3A_83, %get3A_4, %broadcast_in_dim3A_85 : vector<32x512xi1>, vector<32x512xi32>
    %reduce_sum3A_87 = arith.constant dense<0> : vector<512xi32>
    %reduce_sum3A_88 = vector.multi_reduction <add>, %select_n3A_86, %reduce_sum3A_87 [0] : vector<32x512xi32> to vector<512xi32>
    %broadcast_in_dim3A_89 = vector.shape_cast %reduce_sum3A_88 : vector<512xi32> to vector<1x512xi32>
    %eq3A_90 = arith.constant 8 : i32
    %eq3A_91 = vector.broadcast %eq3A_90 : i32 to vector<32x512xi32>
    %eq3A_92 = arith.cmpi eq, %sub3A_17, %eq3A_91 : vector<32x512xi32>
    %jit3A_93 = arith.constant 0 : i32
    %broadcast_in_dim3A_94 = vector.broadcast %jit3A_93 : i32 to vector<32x512xi32>
    %select_n3A_95 = arith.select %eq3A_92, %get3A_4, %broadcast_in_dim3A_94 : vector<32x512xi1>, vector<32x512xi32>
    %reduce_sum3A_96 = arith.constant dense<0> : vector<512xi32>
    %reduce_sum3A_97 = vector.multi_reduction <add>, %select_n3A_95, %reduce_sum3A_96 [0] : vector<32x512xi32> to vector<512xi32>
    %broadcast_in_dim3A_98 = vector.shape_cast %reduce_sum3A_97 : vector<512xi32> to vector<1x512xi32>
    %eq3A_99 = arith.constant 9 : i32
    %eq3A_100 = vector.broadcast %eq3A_99 : i32 to vector<32x512xi32>
    %eq3A_101 = arith.cmpi eq, %sub3A_17, %eq3A_100 : vector<32x512xi32>
    %jit3A_102 = arith.constant 0 : i32
    %broadcast_in_dim3A_103 = vector.broadcast %jit3A_102 : i32 to vector<32x512xi32>
    %select_n3A_104 = arith.select %eq3A_101, %get3A_4, %broadcast_in_dim3A_103 : vector<32x512xi1>, vector<32x512xi32>
    %reduce_sum3A_105 = arith.constant dense<0> : vector<512xi32>
    %reduce_sum3A_106 = vector.multi_reduction <add>, %select_n3A_104, %reduce_sum3A_105 [0] : vector<32x512xi32> to vector<512xi32>
    %broadcast_in_dim3A_107 = vector.shape_cast %reduce_sum3A_106 : vector<512xi32> to vector<1x512xi32>
    %eq3A_108 = arith.constant 10 : i32
    %eq3A_109 = vector.broadcast %eq3A_108 : i32 to vector<32x512xi32>
    %eq3A_110 = arith.cmpi eq, %sub3A_17, %eq3A_109 : vector<32x512xi32>
    %jit3A_111 = arith.constant 0 : i32
    %broadcast_in_dim3A_112 = vector.broadcast %jit3A_111 : i32 to vector<32x512xi32>
    %select_n3A_113 = arith.select %eq3A_110, %get3A_4, %broadcast_in_dim3A_112 : vector<32x512xi1>, vector<32x512xi32>
    %reduce_sum3A_114 = arith.constant dense<0> : vector<512xi32>
    %reduce_sum3A_115 = vector.multi_reduction <add>, %select_n3A_113, %reduce_sum3A_114 [0] : vector<32x512xi32> to vector<512xi32>
    %broadcast_in_dim3A_116 = vector.shape_cast %reduce_sum3A_115 : vector<512xi32> to vector<1x512xi32>
    %eq3A_117 = arith.constant 11 : i32
    %eq3A_118 = vector.broadcast %eq3A_117 : i32 to vector<32x512xi32>
    %eq3A_119 = arith.cmpi eq, %sub3A_17, %eq3A_118 : vector<32x512xi32>
    %jit3A_120 = arith.constant 0 : i32
    %broadcast_in_dim3A_121 = vector.broadcast %jit3A_120 : i32 to vector<32x512xi32>
    %select_n3A_122 = arith.select %eq3A_119, %get3A_4, %broadcast_in_dim3A_121 : vector<32x512xi1>, vector<32x512xi32>
    %reduce_sum3A_123 = arith.constant dense<0> : vector<512xi32>
    %reduce_sum3A_124 = vector.multi_reduction <add>, %select_n3A_122, %reduce_sum3A_123 [0] : vector<32x512xi32> to vector<512xi32>
    %broadcast_in_dim3A_125 = vector.shape_cast %reduce_sum3A_124 : vector<512xi32> to vector<1x512xi32>
    %eq3A_126 = arith.constant 12 : i32
    %eq3A_127 = vector.broadcast %eq3A_126 : i32 to vector<32x512xi32>
    %eq3A_128 = arith.cmpi eq, %sub3A_17, %eq3A_127 : vector<32x512xi32>
    %jit3A_129 = arith.constant 0 : i32
    %broadcast_in_dim3A_130 = vector.broadcast %jit3A_129 : i32 to vector<32x512xi32>
    %select_n3A_131 = arith.select %eq3A_128, %get3A_4, %broadcast_in_dim3A_130 : vector<32x512xi1>, vector<32x512xi32>
    %reduce_sum3A_132 = arith.constant dense<0> : vector<512xi32>
    %reduce_sum3A_133 = vector.multi_reduction <add>, %select_n3A_131, %reduce_sum3A_132 [0] : vector<32x512xi32> to vector<512xi32>
    %broadcast_in_dim3A_134 = vector.shape_cast %reduce_sum3A_133 : vector<512xi32> to vector<1x512xi32>
    %eq3A_135 = arith.constant 13 : i32
    %eq3A_136 = vector.broadcast %eq3A_135 : i32 to vector<32x512xi32>
    %eq3A_137 = arith.cmpi eq, %sub3A_17, %eq3A_136 : vector<32x512xi32>
    %jit3A_138 = arith.constant 0 : i32
    %broadcast_in_dim3A_139 = vector.broadcast %jit3A_138 : i32 to vector<32x512xi32>
    %select_n3A_140 = arith.select %eq3A_137, %get3A_4, %broadcast_in_dim3A_139 : vector<32x512xi1>, vector<32x512xi32>
    %reduce_sum3A_141 = arith.constant dense<0> : vector<512xi32>
    %reduce_sum3A_142 = vector.multi_reduction <add>, %select_n3A_140, %reduce_sum3A_141 [0] : vector<32x512xi32> to vector<512xi32>
    %broadcast_in_dim3A_143 = vector.shape_cast %reduce_sum3A_142 : vector<512xi32> to vector<1x512xi32>
    %eq3A_144 = arith.constant 14 : i32
    %eq3A_145 = vector.broadcast %eq3A_144 : i32 to vector<32x512xi32>
    %eq3A_146 = arith.cmpi eq, %sub3A_17, %eq3A_145 : vector<32x512xi32>
    %jit3A_147 = arith.constant 0 : i32
    %broadcast_in_dim3A_148 = vector.broadcast %jit3A_147 : i32 to vector<32x512xi32>
    %select_n3A_149 = arith.select %eq3A_146, %get3A_4, %broadcast_in_dim3A_148 : vector<32x512xi1>, vector<32x512xi32>
    %reduce_sum3A_150 = arith.constant dense<0> : vector<512xi32>
    %reduce_sum3A_151 = vector.multi_reduction <add>, %select_n3A_149, %reduce_sum3A_150 [0] : vector<32x512xi32> to vector<512xi32>
    %broadcast_in_dim3A_152 = vector.shape_cast %reduce_sum3A_151 : vector<512xi32> to vector<1x512xi32>
    %eq3A_153 = arith.constant 15 : i32
    %eq3A_154 = vector.broadcast %eq3A_153 : i32 to vector<32x512xi32>
    %eq3A_155 = arith.cmpi eq, %sub3A_17, %eq3A_154 : vector<32x512xi32>
    %jit3A_156 = arith.constant 0 : i32
    %broadcast_in_dim3A_157 = vector.broadcast %jit3A_156 : i32 to vector<32x512xi32>
    %select_n3A_158 = arith.select %eq3A_155, %get3A_4, %broadcast_in_dim3A_157 : vector<32x512xi1>, vector<32x512xi32>
    %reduce_sum3A_159 = arith.constant dense<0> : vector<512xi32>
    %reduce_sum3A_160 = vector.multi_reduction <add>, %select_n3A_158, %reduce_sum3A_159 [0] : vector<32x512xi32> to vector<512xi32>
    %broadcast_in_dim3A_161 = vector.shape_cast %reduce_sum3A_160 : vector<512xi32> to vector<1x512xi32>
    %eq3A_162 = arith.constant 16 : i32
    %eq3A_163 = vector.broadcast %eq3A_162 : i32 to vector<32x512xi32>
    %eq3A_164 = arith.cmpi eq, %sub3A_17, %eq3A_163 : vector<32x512xi32>
    %jit3A_165 = arith.constant 0 : i32
    %broadcast_in_dim3A_166 = vector.broadcast %jit3A_165 : i32 to vector<32x512xi32>
    %select_n3A_167 = arith.select %eq3A_164, %get3A_4, %broadcast_in_dim3A_166 : vector<32x512xi1>, vector<32x512xi32>
    %reduce_sum3A_168 = arith.constant dense<0> : vector<512xi32>
    %reduce_sum3A_169 = vector.multi_reduction <add>, %select_n3A_167, %reduce_sum3A_168 [0] : vector<32x512xi32> to vector<512xi32>
    %broadcast_in_dim3A_170 = vector.shape_cast %reduce_sum3A_169 : vector<512xi32> to vector<1x512xi32>
    %eq3A_171 = arith.constant 17 : i32
    %eq3A_172 = vector.broadcast %eq3A_171 : i32 to vector<32x512xi32>
    %eq3A_173 = arith.cmpi eq, %sub3A_17, %eq3A_172 : vector<32x512xi32>
    %jit3A_174 = arith.constant 0 : i32
    %broadcast_in_dim3A_175 = vector.broadcast %jit3A_174 : i32 to vector<32x512xi32>
    %select_n3A_176 = arith.select %eq3A_173, %get3A_4, %broadcast_in_dim3A_175 : vector<32x512xi1>, vector<32x512xi32>
    %reduce_sum3A_177 = arith.constant dense<0> : vector<512xi32>
    %reduce_sum3A_178 = vector.multi_reduction <add>, %select_n3A_176, %reduce_sum3A_177 [0] : vector<32x512xi32> to vector<512xi32>
    %broadcast_in_dim3A_179 = vector.shape_cast %reduce_sum3A_178 : vector<512xi32> to vector<1x512xi32>
    %eq3A_180 = arith.constant 18 : i32
    %eq3A_181 = vector.broadcast %eq3A_180 : i32 to vector<32x512xi32>
    %eq3A_182 = arith.cmpi eq, %sub3A_17, %eq3A_181 : vector<32x512xi32>
    %jit3A_183 = arith.constant 0 : i32
    %broadcast_in_dim3A_184 = vector.broadcast %jit3A_183 : i32 to vector<32x512xi32>
    %select_n3A_185 = arith.select %eq3A_182, %get3A_4, %broadcast_in_dim3A_184 : vector<32x512xi1>, vector<32x512xi32>
    %reduce_sum3A_186 = arith.constant dense<0> : vector<512xi32>
    %reduce_sum3A_187 = vector.multi_reduction <add>, %select_n3A_185, %reduce_sum3A_186 [0] : vector<32x512xi32> to vector<512xi32>
    %broadcast_in_dim3A_188 = vector.shape_cast %reduce_sum3A_187 : vector<512xi32> to vector<1x512xi32>
    %eq3A_189 = arith.constant 19 : i32
    %eq3A_190 = vector.broadcast %eq3A_189 : i32 to vector<32x512xi32>
    %eq3A_191 = arith.cmpi eq, %sub3A_17, %eq3A_190 : vector<32x512xi32>
    %jit3A_192 = arith.constant 0 : i32
    %broadcast_in_dim3A_193 = vector.broadcast %jit3A_192 : i32 to vector<32x512xi32>
    %select_n3A_194 = arith.select %eq3A_191, %get3A_4, %broadcast_in_dim3A_193 : vector<32x512xi1>, vector<32x512xi32>
    %reduce_sum3A_195 = arith.constant dense<0> : vector<512xi32>
    %reduce_sum3A_196 = vector.multi_reduction <add>, %select_n3A_194, %reduce_sum3A_195 [0] : vector<32x512xi32> to vector<512xi32>
    %broadcast_in_dim3A_197 = vector.shape_cast %reduce_sum3A_196 : vector<512xi32> to vector<1x512xi32>
    %eq3A_198 = arith.constant 20 : i32
    %eq3A_199 = vector.broadcast %eq3A_198 : i32 to vector<32x512xi32>
    %eq3A_200 = arith.cmpi eq, %sub3A_17, %eq3A_199 : vector<32x512xi32>
    %jit3A_201 = arith.constant 0 : i32
    %broadcast_in_dim3A_202 = vector.broadcast %jit3A_201 : i32 to vector<32x512xi32>
    %select_n3A_203 = arith.select %eq3A_200, %get3A_4, %broadcast_in_dim3A_202 : vector<32x512xi1>, vector<32x512xi32>
    %reduce_sum3A_204 = arith.constant dense<0> : vector<512xi32>
    %reduce_sum3A_205 = vector.multi_reduction <add>, %select_n3A_203, %reduce_sum3A_204 [0] : vector<32x512xi32> to vector<512xi32>
    %broadcast_in_dim3A_206 = vector.shape_cast %reduce_sum3A_205 : vector<512xi32> to vector<1x512xi32>
    %eq3A_207 = arith.constant 21 : i32
    %eq3A_208 = vector.broadcast %eq3A_207 : i32 to vector<32x512xi32>
    %eq3A_209 = arith.cmpi eq, %sub3A_17, %eq3A_208 : vector<32x512xi32>
    %jit3A_210 = arith.constant 0 : i32
    %broadcast_in_dim3A_211 = vector.broadcast %jit3A_210 : i32 to vector<32x512xi32>
    %select_n3A_212 = arith.select %eq3A_209, %get3A_4, %broadcast_in_dim3A_211 : vector<32x512xi1>, vector<32x512xi32>
    %reduce_sum3A_213 = arith.constant dense<0> : vector<512xi32>
    %reduce_sum3A_214 = vector.multi_reduction <add>, %select_n3A_212, %reduce_sum3A_213 [0] : vector<32x512xi32> to vector<512xi32>
    %broadcast_in_dim3A_215 = vector.shape_cast %reduce_sum3A_214 : vector<512xi32> to vector<1x512xi32>
    %eq3A_216 = arith.constant 22 : i32
    %eq3A_217 = vector.broadcast %eq3A_216 : i32 to vector<32x512xi32>
    %eq3A_218 = arith.cmpi eq, %sub3A_17, %eq3A_217 : vector<32x512xi32>
    %jit3A_219 = arith.constant 0 : i32
    %broadcast_in_dim3A_220 = vector.broadcast %jit3A_219 : i32 to vector<32x512xi32>
    %select_n3A_221 = arith.select %eq3A_218, %get3A_4, %broadcast_in_dim3A_220 : vector<32x512xi1>, vector<32x512xi32>
    %reduce_sum3A_222 = arith.constant dense<0> : vector<512xi32>
    %reduce_sum3A_223 = vector.multi_reduction <add>, %select_n3A_221, %reduce_sum3A_222 [0] : vector<32x512xi32> to vector<512xi32>
    %broadcast_in_dim3A_224 = vector.shape_cast %reduce_sum3A_223 : vector<512xi32> to vector<1x512xi32>
    %eq3A_225 = arith.constant 23 : i32
    %eq3A_226 = vector.broadcast %eq3A_225 : i32 to vector<32x512xi32>
    %eq3A_227 = arith.cmpi eq, %sub3A_17, %eq3A_226 : vector<32x512xi32>
    %jit3A_228 = arith.constant 0 : i32
    %broadcast_in_dim3A_229 = vector.broadcast %jit3A_228 : i32 to vector<32x512xi32>
    %select_n3A_230 = arith.select %eq3A_227, %get3A_4, %broadcast_in_dim3A_229 : vector<32x512xi1>, vector<32x512xi32>
    %reduce_sum3A_231 = arith.constant dense<0> : vector<512xi32>
    %reduce_sum3A_232 = vector.multi_reduction <add>, %select_n3A_230, %reduce_sum3A_231 [0] : vector<32x512xi32> to vector<512xi32>
    %broadcast_in_dim3A_233 = vector.shape_cast %reduce_sum3A_232 : vector<512xi32> to vector<1x512xi32>
    %eq3A_234 = arith.constant 24 : i32
    %eq3A_235 = vector.broadcast %eq3A_234 : i32 to vector<32x512xi32>
    %eq3A_236 = arith.cmpi eq, %sub3A_17, %eq3A_235 : vector<32x512xi32>
    %jit3A_237 = arith.constant 0 : i32
    %broadcast_in_dim3A_238 = vector.broadcast %jit3A_237 : i32 to vector<32x512xi32>
    %select_n3A_239 = arith.select %eq3A_236, %get3A_4, %broadcast_in_dim3A_238 : vector<32x512xi1>, vector<32x512xi32>
    %reduce_sum3A_240 = arith.constant dense<0> : vector<512xi32>
    %reduce_sum3A_241 = vector.multi_reduction <add>, %select_n3A_239, %reduce_sum3A_240 [0] : vector<32x512xi32> to vector<512xi32>
    %broadcast_in_dim3A_242 = vector.shape_cast %reduce_sum3A_241 : vector<512xi32> to vector<1x512xi32>
    %eq3A_243 = arith.constant 25 : i32
    %eq3A_244 = vector.broadcast %eq3A_243 : i32 to vector<32x512xi32>
    %eq3A_245 = arith.cmpi eq, %sub3A_17, %eq3A_244 : vector<32x512xi32>
    %jit3A_246 = arith.constant 0 : i32
    %broadcast_in_dim3A_247 = vector.broadcast %jit3A_246 : i32 to vector<32x512xi32>
    %select_n3A_248 = arith.select %eq3A_245, %get3A_4, %broadcast_in_dim3A_247 : vector<32x512xi1>, vector<32x512xi32>
    %reduce_sum3A_249 = arith.constant dense<0> : vector<512xi32>
    %reduce_sum3A_250 = vector.multi_reduction <add>, %select_n3A_248, %reduce_sum3A_249 [0] : vector<32x512xi32> to vector<512xi32>
    %broadcast_in_dim3A_251 = vector.shape_cast %reduce_sum3A_250 : vector<512xi32> to vector<1x512xi32>
    %eq3A_252 = arith.constant 26 : i32
    %eq3A_253 = vector.broadcast %eq3A_252 : i32 to vector<32x512xi32>
    %eq3A_254 = arith.cmpi eq, %sub3A_17, %eq3A_253 : vector<32x512xi32>
    %jit3A_255 = arith.constant 0 : i32
    %broadcast_in_dim3A_256 = vector.broadcast %jit3A_255 : i32 to vector<32x512xi32>
    %select_n3A_257 = arith.select %eq3A_254, %get3A_4, %broadcast_in_dim3A_256 : vector<32x512xi1>, vector<32x512xi32>
    %reduce_sum3A_258 = arith.constant dense<0> : vector<512xi32>
    %reduce_sum3A_259 = vector.multi_reduction <add>, %select_n3A_257, %reduce_sum3A_258 [0] : vector<32x512xi32> to vector<512xi32>
    %broadcast_in_dim3A_260 = vector.shape_cast %reduce_sum3A_259 : vector<512xi32> to vector<1x512xi32>
    %eq3A_261 = arith.constant 27 : i32
    %eq3A_262 = vector.broadcast %eq3A_261 : i32 to vector<32x512xi32>
    %eq3A_263 = arith.cmpi eq, %sub3A_17, %eq3A_262 : vector<32x512xi32>
    %jit3A_264 = arith.constant 0 : i32
    %broadcast_in_dim3A_265 = vector.broadcast %jit3A_264 : i32 to vector<32x512xi32>
    %select_n3A_266 = arith.select %eq3A_263, %get3A_4, %broadcast_in_dim3A_265 : vector<32x512xi1>, vector<32x512xi32>
    %reduce_sum3A_267 = arith.constant dense<0> : vector<512xi32>
    %reduce_sum3A_268 = vector.multi_reduction <add>, %select_n3A_266, %reduce_sum3A_267 [0] : vector<32x512xi32> to vector<512xi32>
    %broadcast_in_dim3A_269 = vector.shape_cast %reduce_sum3A_268 : vector<512xi32> to vector<1x512xi32>
    %eq3A_270 = arith.constant 28 : i32
    %eq3A_271 = vector.broadcast %eq3A_270 : i32 to vector<32x512xi32>
    %eq3A_272 = arith.cmpi eq, %sub3A_17, %eq3A_271 : vector<32x512xi32>
    %jit3A_273 = arith.constant 0 : i32
    %broadcast_in_dim3A_274 = vector.broadcast %jit3A_273 : i32 to vector<32x512xi32>
    %select_n3A_275 = arith.select %eq3A_272, %get3A_4, %broadcast_in_dim3A_274 : vector<32x512xi1>, vector<32x512xi32>
    %reduce_sum3A_276 = arith.constant dense<0> : vector<512xi32>
    %reduce_sum3A_277 = vector.multi_reduction <add>, %select_n3A_275, %reduce_sum3A_276 [0] : vector<32x512xi32> to vector<512xi32>
    %broadcast_in_dim3A_278 = vector.shape_cast %reduce_sum3A_277 : vector<512xi32> to vector<1x512xi32>
    %eq3A_279 = arith.constant 29 : i32
    %eq3A_280 = vector.broadcast %eq3A_279 : i32 to vector<32x512xi32>
    %eq3A_281 = arith.cmpi eq, %sub3A_17, %eq3A_280 : vector<32x512xi32>
    %jit3A_282 = arith.constant 0 : i32
    %broadcast_in_dim3A_283 = vector.broadcast %jit3A_282 : i32 to vector<32x512xi32>
    %select_n3A_284 = arith.select %eq3A_281, %get3A_4, %broadcast_in_dim3A_283 : vector<32x512xi1>, vector<32x512xi32>
    %reduce_sum3A_285 = arith.constant dense<0> : vector<512xi32>
    %reduce_sum3A_286 = vector.multi_reduction <add>, %select_n3A_284, %reduce_sum3A_285 [0] : vector<32x512xi32> to vector<512xi32>
    %broadcast_in_dim3A_287 = vector.shape_cast %reduce_sum3A_286 : vector<512xi32> to vector<1x512xi32>
    %eq3A_288 = arith.constant 30 : i32
    %eq3A_289 = vector.broadcast %eq3A_288 : i32 to vector<32x512xi32>
    %eq3A_290 = arith.cmpi eq, %sub3A_17, %eq3A_289 : vector<32x512xi32>
    %jit3A_291 = arith.constant 0 : i32
    %broadcast_in_dim3A_292 = vector.broadcast %jit3A_291 : i32 to vector<32x512xi32>
    %select_n3A_293 = arith.select %eq3A_290, %get3A_4, %broadcast_in_dim3A_292 : vector<32x512xi1>, vector<32x512xi32>
    %reduce_sum3A_294 = arith.constant dense<0> : vector<512xi32>
    %reduce_sum3A_295 = vector.multi_reduction <add>, %select_n3A_293, %reduce_sum3A_294 [0] : vector<32x512xi32> to vector<512xi32>
    %broadcast_in_dim3A_296 = vector.shape_cast %reduce_sum3A_295 : vector<512xi32> to vector<1x512xi32>
    %eq3A_297 = arith.constant 31 : i32
    %eq3A_298 = vector.broadcast %eq3A_297 : i32 to vector<32x512xi32>
    %eq3A_299 = arith.cmpi eq, %sub3A_17, %eq3A_298 : vector<32x512xi32>
    %jit3A_300 = arith.constant 0 : i32
    %broadcast_in_dim3A_301 = vector.broadcast %jit3A_300 : i32 to vector<32x512xi32>
    %select_n3A_302 = arith.select %eq3A_299, %get3A_4, %broadcast_in_dim3A_301 : vector<32x512xi1>, vector<32x512xi32>
    %reduce_sum3A_303 = arith.constant dense<0> : vector<512xi32>
    %reduce_sum3A_304 = vector.multi_reduction <add>, %select_n3A_302, %reduce_sum3A_303 [0] : vector<32x512xi32> to vector<512xi32>
    %broadcast_in_dim3A_305 = vector.shape_cast %reduce_sum3A_304 : vector<512xi32> to vector<1x512xi32>
    %reduce_max3A = arith.constant dense<0xFF800000> : vector<512xf32>
    %reduce_max3A_306 = vector.multi_reduction <maximumf>, %get3A_1, %reduce_max3A [0] : vector<32x512xf32> to vector<512xf32>
    %broadcast_in_dim3A_307 = vector.shape_cast %reduce_max3A_306 : vector<512xf32> to vector<1x512xf32>
    %eq3A_308 = vector.broadcast %broadcast_in_dim3A_307 : vector<1x512xf32> to vector<32x512xf32>
    %eq3A_309 = arith.cmpf oeq, %get3A_1, %eq3A_308 : vector<32x512xf32>
    %jit3A_310 = arith.constant 1 : i32
    %jit3A_311 = arith.constant 0 : i32
    %broadcast_in_dim3A_312 = vector.broadcast %jit3A_310 : i32 to vector<32x512xi32>
    %broadcast_in_dim3A_313 = vector.broadcast %jit3A_311 : i32 to vector<32x512xi32>
    %select_n3A_314 = arith.select %eq3A_309, %broadcast_in_dim3A_312, %broadcast_in_dim3A_313 : vector<32x512xi1>, vector<32x512xi32>
    %reduce_sum3A_315 = arith.constant dense<0> : vector<512xi32>
    %reduce_sum3A_316 = vector.multi_reduction <add>, %select_n3A_314, %reduce_sum3A_315 [0] : vector<32x512xi32> to vector<512xi32>
    %broadcast_in_dim3A_317 = vector.shape_cast %reduce_sum3A_316 : vector<512xi32> to vector<1x512xi32>
    %sub3A_318 = arith.constant 1 : i32
    %sub3A_319 = vector.broadcast %sub3A_318 : i32 to vector<1x512xi32>
    %sub3A_320 = arith.subi %broadcast_in_dim3A_317, %sub3A_319 : vector<1x512xi32>
    %eq3A_321 = vector.broadcast %sub3A_320 : vector<1x512xi32> to vector<32x512xi32>
    %eq3A_322 = arith.cmpi eq, %sub3A_17, %eq3A_321 : vector<32x512xi32>
    %jit3A_323 = arith.constant 0 : i32
    %broadcast_in_dim3A_324 = vector.broadcast %jit3A_323 : i32 to vector<32x512xi32>
    %select_n3A_325 = arith.select %eq3A_322, %get3A_4, %broadcast_in_dim3A_324 : vector<32x512xi1>, vector<32x512xi32>
    %reduce_sum3A_326 = arith.constant dense<0> : vector<512xi32>
    %reduce_sum3A_327 = vector.multi_reduction <add>, %select_n3A_325, %reduce_sum3A_326 [0] : vector<32x512xi32> to vector<512xi32>
    %broadcast_in_dim3A_328 = vector.shape_cast %reduce_sum3A_327 : vector<512xi32> to vector<1x512xi32>
    %concatenate3A = tpu.concatenate %broadcast_in_dim3A_26, %broadcast_in_dim3A_35, %broadcast_in_dim3A_44, %broadcast_in_dim3A_53, %broadcast_in_dim3A_62, %broadcast_in_dim3A_71, %broadcast_in_dim3A_80, %broadcast_in_dim3A_89, %broadcast_in_dim3A_98, %broadcast_in_dim3A_107, %broadcast_in_dim3A_116, %broadcast_in_dim3A_125, %broadcast_in_dim3A_134, %broadcast_in_dim3A_143, %broadcast_in_dim3A_152, %broadcast_in_dim3A_161, %broadcast_in_dim3A_170, %broadcast_in_dim3A_179, %broadcast_in_dim3A_188, %broadcast_in_dim3A_197, %broadcast_in_dim3A_206, %broadcast_in_dim3A_215, %broadcast_in_dim3A_224, %broadcast_in_dim3A_233, %broadcast_in_dim3A_242, %broadcast_in_dim3A_251, %broadcast_in_dim3A_260, %broadcast_in_dim3A_269, %broadcast_in_dim3A_278, %broadcast_in_dim3A_287, %broadcast_in_dim3A_296, %broadcast_in_dim3A_305, %broadcast_in_dim3A_328 in 0 : vector<1x512xi32>, vector<1x512xi32>, vector<1x512xi32>, vector<1x512xi32>, vector<1x512xi32>, vector<1x512xi32>, vector<1x512xi32>, vector<1x512xi32>, vector<1x512xi32>, vector<1x512xi32>, vector<1x512xi32>, vector<1x512xi32>, vector<1x512xi32>, vector<1x512xi32>, vector<1x512xi32>, vector<1x512xi32>, vector<1x512xi32>, vector<1x512xi32>, vector<1x512xi32>, vector<1x512xi32>, vector<1x512xi32>, vector<1x512xi32>, vector<1x512xi32>, vector<1x512xi32>, vector<1x512xi32>, vector<1x512xi32>, vector<1x512xi32>, vector<1x512xi32>, vector<1x512xi32>, vector<1x512xi32>, vector<1x512xi32>, vector<1x512xi32>, vector<1x512xi32> -> vector<33x512xi32>
    %swap3A = arith.constant 0 : index
    %swap3A_329 = arith.constant 0 : index
    %swap3A_330 = vector.load %arg3[%swap3A, %swap3A_329] : memref<33x512xi32, #tpu.memory_space<vmem>>, vector<33x512xi32>
    tpu.vector_store %arg3[%swap3A, %swap3A_329], %concatenate3A {strides = array<i32>} : memref<33x512xi32, #tpu.memory_space<vmem>>, vector<33x512xi32>,
    return
  }
  func.func @transform_0(%arg0: i32) -> (i32, i32) {
    %c0_i32 = arith.constant 0 : i32
    %c0_i32_0 = arith.constant 0 : i32
    return %c0_i32, %arg0 : i32, i32
  }
  func.func @transform_1(%arg0: i32) -> (i32, i32) {
    %c0_i32 = arith.constant 0 : i32
    %c0_i32_0 = arith.constant 0 : i32
    return %c0_i32, %arg0 : i32, i32
  }
  func.func @transform_2(%arg0: i32) -> (i32, i32) {
    %c0_i32 = arith.constant 0 : i32
    %c0_i32_0 = arith.constant 0 : i32
    return %c0_i32, %arg0 : i32, i32
  }
}

module attributes {stable_mosaic.version = 14 : i64} {
  func.func @body(%arg0: i32, %arg1: memref<1024x128xf32, #tpu.memory_space<vmem>>, %arg2: memref<128x128xf32, #tpu.memory_space<vmem>>, %arg3: memref<1024x128xf32, #tpu.memory_space<vmem>>) attributes {dimension_semantics = [#tpu.dimension_semantics<parallel>], iteration_bounds = array<i64: 10>, scalar_prefetch = 0 : i64, scratch_operands = 0 : i64, tpu.core_type = #tpu.core_type<tc>, window_params = [{transform_indices = @transform_0, window_bounds = array<i64: 1024, 128>}, {pipeline_mode = #tpu.pipeline_mode<synchronous>, transform_indices = @transform_1, window_bounds = array<i64: 128, 128>}, {transform_indices = @transform_2, window_bounds = array<i64: 1024, 128>}]} {
    %get3A = arith.constant 0 : index
    %get3A_0 = arith.constant 0 : index
    %get3A_1 = vector.load %arg1[%get3A, %get3A_0] : memref<1024x128xf32, #tpu.memory_space<vmem>>, vector<1024x128xf32>
    %get3A_2 = arith.constant 0 : index
    %get3A_3 = arith.constant 0 : index
    %get3A_4 = vector.load %arg2[%get3A_2, %get3A_3] : memref<128x128xf32, #tpu.memory_space<vmem>>, vector<128x128xf32>
    %dot_general3A = arith.constant dense<0.000000e+00> : vector<1024x128xf32>
    %dot_general3A_5 = tpu.matmul %get3A_1, %get3A_4, %dot_general3A {dimension_numbers = #tpu.dot_dimension_numbers<[1], [0], [0], [1], [0, 0, 1, 1], [], []>, precision = #tpu.contract_precision<fp32>, transpose_lhs_hint = false} : vector<1024x128xf32>, vector<128x128xf32>, vector<1024x128xf32> -> vector<1024x128xf32>
    %swap3A = arith.constant 0 : index
    %swap3A_6 = arith.constant 0 : index
    %swap3A_7 = vector.load %arg3[%swap3A, %swap3A_6] : memref<1024x128xf32, #tpu.memory_space<vmem>>, vector<1024x128xf32>
    tpu.vector_store %arg3[%swap3A, %swap3A_6], %dot_general3A_5 {strides = array<i32>} : memref<1024x128xf32, #tpu.memory_space<vmem>>, vector<1024x128xf32>,
    return
  }
  func.func @transform_0(%arg0: i32) -> (i32, i32) {
    %c0_i32 = arith.constant 0 : i32
    %c0_i32_0 = arith.constant 0 : i32
    return %arg0, %c0_i32 : i32, i32
  }
  func.func @transform_1(%arg0: i32) -> (i32, i32) {
    %c0_i32 = arith.constant 0 : i32
    %c0_i32_0 = arith.constant 0 : i32
    %c0_i32_1 = arith.constant 0 : i32
    return %c0_i32, %c0_i32_0 : i32, i32
  }
  func.func @transform_2(%arg0: i32) -> (i32, i32) {
    %c0_i32 = arith.constant 0 : i32
    %c0_i32_0 = arith.constant 0 : i32
    return %arg0, %c0_i32 : i32, i32
  }
}

module attributes {stable_mosaic.version = 14 : i64} {
  func.func @body(%arg0: i32, %arg1: memref<33x512x128xf32, #tpu.memory_space<vmem>>, %arg2: memref<512x128xf32, #tpu.memory_space<vmem>>, %arg3: memref<32x128xf32, #tpu.memory_space<vmem>>, %arg4: memref<32x128xf32, #tpu.memory_space<vmem>>, %arg5: memref<256x128xf32, #tpu.memory_space<vmem>>, %arg6: memref<512x128xf32, #tpu.memory_space<vmem>>, %arg7: memref<256x128xf32, #tpu.memory_space<vmem>>, %arg8: memref<512x128xf32, #tpu.memory_space<vmem>>) attributes {dimension_semantics = [#tpu.dimension_semantics<parallel>], iteration_bounds = array<i64: 20>, scalar_prefetch = 0 : i64, scratch_operands = 0 : i64, tpu.core_type = #tpu.core_type<tc>, window_params = [{transform_indices = @transform_0, window_bounds = array<i64: 33, 512, 128>}, {transform_indices = @transform_1, window_bounds = array<i64: 512, 128>}, {pipeline_mode = #tpu.pipeline_mode<synchronous>, transform_indices = @transform_2, window_bounds = array<i64: 32, 128>}, {pipeline_mode = #tpu.pipeline_mode<synchronous>, transform_indices = @transform_3, window_bounds = array<i64: 32, 128>}, {pipeline_mode = #tpu.pipeline_mode<synchronous>, transform_indices = @transform_4, window_bounds = array<i64: 256, 128>}, {transform_indices = @transform_5, window_bounds = array<i64: 512, 128>}, {pipeline_mode = #tpu.pipeline_mode<synchronous>, transform_indices = @transform_6, window_bounds = array<i64: 256, 128>}, {transform_indices = @transform_7, window_bounds = array<i64: 512, 128>}]} {
    %get3A = arith.constant 0 : index
    %get3A_0 = arith.constant 0 : index
    %get3A_1 = vector.load %arg2[%get3A, %get3A_0] : memref<512x128xf32, #tpu.memory_space<vmem>>, vector<512x128xf32>
    %get3A_2 = arith.constant 32 : index
    %get3A_3 = arith.constant 0 : index
    %get3A_4 = arith.constant 0 : index
    %get3A_5 = vector.load %arg1[%get3A_2, %get3A_3, %get3A_4] : memref<33x512x128xf32, #tpu.memory_space<vmem>>, vector<1x512x128xf32>
    %get3A_6 = vector.shape_cast %get3A_5 : vector<1x512x128xf32> to vector<512x128xf32>
    %get3A_7 = arith.constant 0 : index
    %get3A_8 = arith.constant 0 : index
    %get3A_9 = vector.load %arg3[%get3A_7, %get3A_8] : memref<32x128xf32, #tpu.memory_space<vmem>>, vector<32x128xf32>
    %dot_general3A = arith.constant dense<0.000000e+00> : vector<512x32xf32>
    %dot_general3A_10 = tpu.matmul %get3A_1, %get3A_9, %dot_general3A {dimension_numbers = #tpu.dot_dimension_numbers<[1], [1], [0], [0], [0, 0, 1, 0], [], []>, precision = #tpu.contract_precision<fp32>, transpose_lhs_hint = false} : vector<512x128xf32>, vector<32x128xf32>, vector<512x32xf32> -> vector<512x32xf32>
    %get3A_11 = arith.constant 0 : index
    %get3A_12 = arith.constant 0 : index
    %get3A_13 = arith.constant 0 : index
    %get3A_14 = vector.load %arg1[%get3A_11, %get3A_12, %get3A_13] : memref<33x512x128xf32, #tpu.memory_space<vmem>>, vector<1x512x128xf32>
    %get3A_15 = vector.shape_cast %get3A_14 : vector<1x512x128xf32> to vector<512x128xf32>
    %mul3A = arith.mulf %get3A_15, %get3A_1 : vector<512x128xf32>
    %reduce_sum3A = arith.constant dense<0.000000e+00> : vector<512xf32>
    %reduce_sum3A_16 = vector.multi_reduction <add>, %mul3A, %reduce_sum3A [1] : vector<512x128xf32> to vector<512xf32>
    %broadcast_in_dim3A = vector.shape_cast %reduce_sum3A_16 : vector<512xf32> to vector<512x1xf32>
    %mul3A_17 = arith.mulf %get3A_15, %get3A_6 : vector<512x128xf32>
    %reduce_sum3A_18 = arith.constant dense<0.000000e+00> : vector<512xf32>
    %reduce_sum3A_19 = vector.multi_reduction <add>, %mul3A_17, %reduce_sum3A_18 [1] : vector<512x128xf32> to vector<512xf32>
    %broadcast_in_dim3A_20 = vector.shape_cast %reduce_sum3A_19 : vector<512xf32> to vector<512x1xf32>
    %get3A_21 = arith.constant 1 : index
    %get3A_22 = arith.constant 0 : index
    %get3A_23 = arith.constant 0 : index
    %get3A_24 = vector.load %arg1[%get3A_21, %get3A_22, %get3A_23] : memref<33x512x128xf32, #tpu.memory_space<vmem>>, vector<1x512x128xf32>
    %get3A_25 = vector.shape_cast %get3A_24 : vector<1x512x128xf32> to vector<512x128xf32>
    %mul3A_26 = arith.mulf %get3A_25, %get3A_1 : vector<512x128xf32>
    %reduce_sum3A_27 = arith.constant dense<0.000000e+00> : vector<512xf32>
    %reduce_sum3A_28 = vector.multi_reduction <add>, %mul3A_26, %reduce_sum3A_27 [1] : vector<512x128xf32> to vector<512xf32>
    %broadcast_in_dim3A_29 = vector.shape_cast %reduce_sum3A_28 : vector<512xf32> to vector<512x1xf32>
    %mul3A_30 = arith.mulf %get3A_25, %get3A_6 : vector<512x128xf32>
    %reduce_sum3A_31 = arith.constant dense<0.000000e+00> : vector<512xf32>
    %reduce_sum3A_32 = vector.multi_reduction <add>, %mul3A_30, %reduce_sum3A_31 [1] : vector<512x128xf32> to vector<512xf32>
    %broadcast_in_dim3A_33 = vector.shape_cast %reduce_sum3A_32 : vector<512xf32> to vector<512x1xf32>
    %get3A_34 = arith.constant 2 : index
    %get3A_35 = arith.constant 0 : index
    %get3A_36 = arith.constant 0 : index
    %get3A_37 = vector.load %arg1[%get3A_34, %get3A_35, %get3A_36] : memref<33x512x128xf32, #tpu.memory_space<vmem>>, vector<1x512x128xf32>
    %get3A_38 = vector.shape_cast %get3A_37 : vector<1x512x128xf32> to vector<512x128xf32>
    %mul3A_39 = arith.mulf %get3A_38, %get3A_1 : vector<512x128xf32>
    %reduce_sum3A_40 = arith.constant dense<0.000000e+00> : vector<512xf32>
    %reduce_sum3A_41 = vector.multi_reduction <add>, %mul3A_39, %reduce_sum3A_40 [1] : vector<512x128xf32> to vector<512xf32>
    %broadcast_in_dim3A_42 = vector.shape_cast %reduce_sum3A_41 : vector<512xf32> to vector<512x1xf32>
    %mul3A_43 = arith.mulf %get3A_38, %get3A_6 : vector<512x128xf32>
    %reduce_sum3A_44 = arith.constant dense<0.000000e+00> : vector<512xf32>
    %reduce_sum3A_45 = vector.multi_reduction <add>, %mul3A_43, %reduce_sum3A_44 [1] : vector<512x128xf32> to vector<512xf32>
    %broadcast_in_dim3A_46 = vector.shape_cast %reduce_sum3A_45 : vector<512xf32> to vector<512x1xf32>
    %get3A_47 = arith.constant 3 : index
    %get3A_48 = arith.constant 0 : index
    %get3A_49 = arith.constant 0 : index
    %get3A_50 = vector.load %arg1[%get3A_47, %get3A_48, %get3A_49] : memref<33x512x128xf32, #tpu.memory_space<vmem>>, vector<1x512x128xf32>
    %get3A_51 = vector.shape_cast %get3A_50 : vector<1x512x128xf32> to vector<512x128xf32>
    %mul3A_52 = arith.mulf %get3A_51, %get3A_1 : vector<512x128xf32>
    %reduce_sum3A_53 = arith.constant dense<0.000000e+00> : vector<512xf32>
    %reduce_sum3A_54 = vector.multi_reduction <add>, %mul3A_52, %reduce_sum3A_53 [1] : vector<512x128xf32> to vector<512xf32>
    %broadcast_in_dim3A_55 = vector.shape_cast %reduce_sum3A_54 : vector<512xf32> to vector<512x1xf32>
    %mul3A_56 = arith.mulf %get3A_51, %get3A_6 : vector<512x128xf32>
    %reduce_sum3A_57 = arith.constant dense<0.000000e+00> : vector<512xf32>
    %reduce_sum3A_58 = vector.multi_reduction <add>, %mul3A_56, %reduce_sum3A_57 [1] : vector<512x128xf32> to vector<512xf32>
    %broadcast_in_dim3A_59 = vector.shape_cast %reduce_sum3A_58 : vector<512xf32> to vector<512x1xf32>
    %get3A_60 = arith.constant 4 : index
    %get3A_61 = arith.constant 0 : index
    %get3A_62 = arith.constant 0 : index
    %get3A_63 = vector.load %arg1[%get3A_60, %get3A_61, %get3A_62] : memref<33x512x128xf32, #tpu.memory_space<vmem>>, vector<1x512x128xf32>
    %get3A_64 = vector.shape_cast %get3A_63 : vector<1x512x128xf32> to vector<512x128xf32>
    %mul3A_65 = arith.mulf %get3A_64, %get3A_1 : vector<512x128xf32>
    %reduce_sum3A_66 = arith.constant dense<0.000000e+00> : vector<512xf32>
    %reduce_sum3A_67 = vector.multi_reduction <add>, %mul3A_65, %reduce_sum3A_66 [1] : vector<512x128xf32> to vector<512xf32>
    %broadcast_in_dim3A_68 = vector.shape_cast %reduce_sum3A_67 : vector<512xf32> to vector<512x1xf32>
    %mul3A_69 = arith.mulf %get3A_64, %get3A_6 : vector<512x128xf32>
    %reduce_sum3A_70 = arith.constant dense<0.000000e+00> : vector<512xf32>
    %reduce_sum3A_71 = vector.multi_reduction <add>, %mul3A_69, %reduce_sum3A_70 [1] : vector<512x128xf32> to vector<512xf32>
    %broadcast_in_dim3A_72 = vector.shape_cast %reduce_sum3A_71 : vector<512xf32> to vector<512x1xf32>
    %get3A_73 = arith.constant 5 : index
    %get3A_74 = arith.constant 0 : index
    %get3A_75 = arith.constant 0 : index
    %get3A_76 = vector.load %arg1[%get3A_73, %get3A_74, %get3A_75] : memref<33x512x128xf32, #tpu.memory_space<vmem>>, vector<1x512x128xf32>
    %get3A_77 = vector.shape_cast %get3A_76 : vector<1x512x128xf32> to vector<512x128xf32>
    %mul3A_78 = arith.mulf %get3A_77, %get3A_1 : vector<512x128xf32>
    %reduce_sum3A_79 = arith.constant dense<0.000000e+00> : vector<512xf32>
    %reduce_sum3A_80 = vector.multi_reduction <add>, %mul3A_78, %reduce_sum3A_79 [1] : vector<512x128xf32> to vector<512xf32>
    %broadcast_in_dim3A_81 = vector.shape_cast %reduce_sum3A_80 : vector<512xf32> to vector<512x1xf32>
    %mul3A_82 = arith.mulf %get3A_77, %get3A_6 : vector<512x128xf32>
    %reduce_sum3A_83 = arith.constant dense<0.000000e+00> : vector<512xf32>
    %reduce_sum3A_84 = vector.multi_reduction <add>, %mul3A_82, %reduce_sum3A_83 [1] : vector<512x128xf32> to vector<512xf32>
    %broadcast_in_dim3A_85 = vector.shape_cast %reduce_sum3A_84 : vector<512xf32> to vector<512x1xf32>
    %get3A_86 = arith.constant 6 : index
    %get3A_87 = arith.constant 0 : index
    %get3A_88 = arith.constant 0 : index
    %get3A_89 = vector.load %arg1[%get3A_86, %get3A_87, %get3A_88] : memref<33x512x128xf32, #tpu.memory_space<vmem>>, vector<1x512x128xf32>
    %get3A_90 = vector.shape_cast %get3A_89 : vector<1x512x128xf32> to vector<512x128xf32>
    %mul3A_91 = arith.mulf %get3A_90, %get3A_1 : vector<512x128xf32>
    %reduce_sum3A_92 = arith.constant dense<0.000000e+00> : vector<512xf32>
    %reduce_sum3A_93 = vector.multi_reduction <add>, %mul3A_91, %reduce_sum3A_92 [1] : vector<512x128xf32> to vector<512xf32>
    %broadcast_in_dim3A_94 = vector.shape_cast %reduce_sum3A_93 : vector<512xf32> to vector<512x1xf32>
    %mul3A_95 = arith.mulf %get3A_90, %get3A_6 : vector<512x128xf32>
    %reduce_sum3A_96 = arith.constant dense<0.000000e+00> : vector<512xf32>
    %reduce_sum3A_97 = vector.multi_reduction <add>, %mul3A_95, %reduce_sum3A_96 [1] : vector<512x128xf32> to vector<512xf32>
    %broadcast_in_dim3A_98 = vector.shape_cast %reduce_sum3A_97 : vector<512xf32> to vector<512x1xf32>
    %get3A_99 = arith.constant 7 : index
    %get3A_100 = arith.constant 0 : index
    %get3A_101 = arith.constant 0 : index
    %get3A_102 = vector.load %arg1[%get3A_99, %get3A_100, %get3A_101] : memref<33x512x128xf32, #tpu.memory_space<vmem>>, vector<1x512x128xf32>
    %get3A_103 = vector.shape_cast %get3A_102 : vector<1x512x128xf32> to vector<512x128xf32>
    %mul3A_104 = arith.mulf %get3A_103, %get3A_1 : vector<512x128xf32>
    %reduce_sum3A_105 = arith.constant dense<0.000000e+00> : vector<512xf32>
    %reduce_sum3A_106 = vector.multi_reduction <add>, %mul3A_104, %reduce_sum3A_105 [1] : vector<512x128xf32> to vector<512xf32>
    %broadcast_in_dim3A_107 = vector.shape_cast %reduce_sum3A_106 : vector<512xf32> to vector<512x1xf32>
    %mul3A_108 = arith.mulf %get3A_103, %get3A_6 : vector<512x128xf32>
    %reduce_sum3A_109 = arith.constant dense<0.000000e+00> : vector<512xf32>
    %reduce_sum3A_110 = vector.multi_reduction <add>, %mul3A_108, %reduce_sum3A_109 [1] : vector<512x128xf32> to vector<512xf32>
    %broadcast_in_dim3A_111 = vector.shape_cast %reduce_sum3A_110 : vector<512xf32> to vector<512x1xf32>
    %get3A_112 = arith.constant 8 : index
    %get3A_113 = arith.constant 0 : index
    %get3A_114 = arith.constant 0 : index
    %get3A_115 = vector.load %arg1[%get3A_112, %get3A_113, %get3A_114] : memref<33x512x128xf32, #tpu.memory_space<vmem>>, vector<1x512x128xf32>
    %get3A_116 = vector.shape_cast %get3A_115 : vector<1x512x128xf32> to vector<512x128xf32>
    %mul3A_117 = arith.mulf %get3A_116, %get3A_1 : vector<512x128xf32>
    %reduce_sum3A_118 = arith.constant dense<0.000000e+00> : vector<512xf32>
    %reduce_sum3A_119 = vector.multi_reduction <add>, %mul3A_117, %reduce_sum3A_118 [1] : vector<512x128xf32> to vector<512xf32>
    %broadcast_in_dim3A_120 = vector.shape_cast %reduce_sum3A_119 : vector<512xf32> to vector<512x1xf32>
    %mul3A_121 = arith.mulf %get3A_116, %get3A_6 : vector<512x128xf32>
    %reduce_sum3A_122 = arith.constant dense<0.000000e+00> : vector<512xf32>
    %reduce_sum3A_123 = vector.multi_reduction <add>, %mul3A_121, %reduce_sum3A_122 [1] : vector<512x128xf32> to vector<512xf32>
    %broadcast_in_dim3A_124 = vector.shape_cast %reduce_sum3A_123 : vector<512xf32> to vector<512x1xf32>
    %get3A_125 = arith.constant 9 : index
    %get3A_126 = arith.constant 0 : index
    %get3A_127 = arith.constant 0 : index
    %get3A_128 = vector.load %arg1[%get3A_125, %get3A_126, %get3A_127] : memref<33x512x128xf32, #tpu.memory_space<vmem>>, vector<1x512x128xf32>
    %get3A_129 = vector.shape_cast %get3A_128 : vector<1x512x128xf32> to vector<512x128xf32>
    %mul3A_130 = arith.mulf %get3A_129, %get3A_1 : vector<512x128xf32>
    %reduce_sum3A_131 = arith.constant dense<0.000000e+00> : vector<512xf32>
    %reduce_sum3A_132 = vector.multi_reduction <add>, %mul3A_130, %reduce_sum3A_131 [1] : vector<512x128xf32> to vector<512xf32>
    %broadcast_in_dim3A_133 = vector.shape_cast %reduce_sum3A_132 : vector<512xf32> to vector<512x1xf32>
    %mul3A_134 = arith.mulf %get3A_129, %get3A_6 : vector<512x128xf32>
    %reduce_sum3A_135 = arith.constant dense<0.000000e+00> : vector<512xf32>
    %reduce_sum3A_136 = vector.multi_reduction <add>, %mul3A_134, %reduce_sum3A_135 [1] : vector<512x128xf32> to vector<512xf32>
    %broadcast_in_dim3A_137 = vector.shape_cast %reduce_sum3A_136 : vector<512xf32> to vector<512x1xf32>
    %get3A_138 = arith.constant 10 : index
    %get3A_139 = arith.constant 0 : index
    %get3A_140 = arith.constant 0 : index
    %get3A_141 = vector.load %arg1[%get3A_138, %get3A_139, %get3A_140] : memref<33x512x128xf32, #tpu.memory_space<vmem>>, vector<1x512x128xf32>
    %get3A_142 = vector.shape_cast %get3A_141 : vector<1x512x128xf32> to vector<512x128xf32>
    %mul3A_143 = arith.mulf %get3A_142, %get3A_1 : vector<512x128xf32>
    %reduce_sum3A_144 = arith.constant dense<0.000000e+00> : vector<512xf32>
    %reduce_sum3A_145 = vector.multi_reduction <add>, %mul3A_143, %reduce_sum3A_144 [1] : vector<512x128xf32> to vector<512xf32>
    %broadcast_in_dim3A_146 = vector.shape_cast %reduce_sum3A_145 : vector<512xf32> to vector<512x1xf32>
    %mul3A_147 = arith.mulf %get3A_142, %get3A_6 : vector<512x128xf32>
    %reduce_sum3A_148 = arith.constant dense<0.000000e+00> : vector<512xf32>
    %reduce_sum3A_149 = vector.multi_reduction <add>, %mul3A_147, %reduce_sum3A_148 [1] : vector<512x128xf32> to vector<512xf32>
    %broadcast_in_dim3A_150 = vector.shape_cast %reduce_sum3A_149 : vector<512xf32> to vector<512x1xf32>
    %get3A_151 = arith.constant 11 : index
    %get3A_152 = arith.constant 0 : index
    %get3A_153 = arith.constant 0 : index
    %get3A_154 = vector.load %arg1[%get3A_151, %get3A_152, %get3A_153] : memref<33x512x128xf32, #tpu.memory_space<vmem>>, vector<1x512x128xf32>
    %get3A_155 = vector.shape_cast %get3A_154 : vector<1x512x128xf32> to vector<512x128xf32>
    %mul3A_156 = arith.mulf %get3A_155, %get3A_1 : vector<512x128xf32>
    %reduce_sum3A_157 = arith.constant dense<0.000000e+00> : vector<512xf32>
    %reduce_sum3A_158 = vector.multi_reduction <add>, %mul3A_156, %reduce_sum3A_157 [1] : vector<512x128xf32> to vector<512xf32>
    %broadcast_in_dim3A_159 = vector.shape_cast %reduce_sum3A_158 : vector<512xf32> to vector<512x1xf32>
    %mul3A_160 = arith.mulf %get3A_155, %get3A_6 : vector<512x128xf32>
    %reduce_sum3A_161 = arith.constant dense<0.000000e+00> : vector<512xf32>
    %reduce_sum3A_162 = vector.multi_reduction <add>, %mul3A_160, %reduce_sum3A_161 [1] : vector<512x128xf32> to vector<512xf32>
    %broadcast_in_dim3A_163 = vector.shape_cast %reduce_sum3A_162 : vector<512xf32> to vector<512x1xf32>
    %get3A_164 = arith.constant 12 : index
    %get3A_165 = arith.constant 0 : index
    %get3A_166 = arith.constant 0 : index
    %get3A_167 = vector.load %arg1[%get3A_164, %get3A_165, %get3A_166] : memref<33x512x128xf32, #tpu.memory_space<vmem>>, vector<1x512x128xf32>
    %get3A_168 = vector.shape_cast %get3A_167 : vector<1x512x128xf32> to vector<512x128xf32>
    %mul3A_169 = arith.mulf %get3A_168, %get3A_1 : vector<512x128xf32>
    %reduce_sum3A_170 = arith.constant dense<0.000000e+00> : vector<512xf32>
    %reduce_sum3A_171 = vector.multi_reduction <add>, %mul3A_169, %reduce_sum3A_170 [1] : vector<512x128xf32> to vector<512xf32>
    %broadcast_in_dim3A_172 = vector.shape_cast %reduce_sum3A_171 : vector<512xf32> to vector<512x1xf32>
    %mul3A_173 = arith.mulf %get3A_168, %get3A_6 : vector<512x128xf32>
    %reduce_sum3A_174 = arith.constant dense<0.000000e+00> : vector<512xf32>
    %reduce_sum3A_175 = vector.multi_reduction <add>, %mul3A_173, %reduce_sum3A_174 [1] : vector<512x128xf32> to vector<512xf32>
    %broadcast_in_dim3A_176 = vector.shape_cast %reduce_sum3A_175 : vector<512xf32> to vector<512x1xf32>
    %get3A_177 = arith.constant 13 : index
    %get3A_178 = arith.constant 0 : index
    %get3A_179 = arith.constant 0 : index
    %get3A_180 = vector.load %arg1[%get3A_177, %get3A_178, %get3A_179] : memref<33x512x128xf32, #tpu.memory_space<vmem>>, vector<1x512x128xf32>
    %get3A_181 = vector.shape_cast %get3A_180 : vector<1x512x128xf32> to vector<512x128xf32>
    %mul3A_182 = arith.mulf %get3A_181, %get3A_1 : vector<512x128xf32>
    %reduce_sum3A_183 = arith.constant dense<0.000000e+00> : vector<512xf32>
    %reduce_sum3A_184 = vector.multi_reduction <add>, %mul3A_182, %reduce_sum3A_183 [1] : vector<512x128xf32> to vector<512xf32>
    %broadcast_in_dim3A_185 = vector.shape_cast %reduce_sum3A_184 : vector<512xf32> to vector<512x1xf32>
    %mul3A_186 = arith.mulf %get3A_181, %get3A_6 : vector<512x128xf32>
    %reduce_sum3A_187 = arith.constant dense<0.000000e+00> : vector<512xf32>
    %reduce_sum3A_188 = vector.multi_reduction <add>, %mul3A_186, %reduce_sum3A_187 [1] : vector<512x128xf32> to vector<512xf32>
    %broadcast_in_dim3A_189 = vector.shape_cast %reduce_sum3A_188 : vector<512xf32> to vector<512x1xf32>
    %get3A_190 = arith.constant 14 : index
    %get3A_191 = arith.constant 0 : index
    %get3A_192 = arith.constant 0 : index
    %get3A_193 = vector.load %arg1[%get3A_190, %get3A_191, %get3A_192] : memref<33x512x128xf32, #tpu.memory_space<vmem>>, vector<1x512x128xf32>
    %get3A_194 = vector.shape_cast %get3A_193 : vector<1x512x128xf32> to vector<512x128xf32>
    %mul3A_195 = arith.mulf %get3A_194, %get3A_1 : vector<512x128xf32>
    %reduce_sum3A_196 = arith.constant dense<0.000000e+00> : vector<512xf32>
    %reduce_sum3A_197 = vector.multi_reduction <add>, %mul3A_195, %reduce_sum3A_196 [1] : vector<512x128xf32> to vector<512xf32>
    %broadcast_in_dim3A_198 = vector.shape_cast %reduce_sum3A_197 : vector<512xf32> to vector<512x1xf32>
    %mul3A_199 = arith.mulf %get3A_194, %get3A_6 : vector<512x128xf32>
    %reduce_sum3A_200 = arith.constant dense<0.000000e+00> : vector<512xf32>
    %reduce_sum3A_201 = vector.multi_reduction <add>, %mul3A_199, %reduce_sum3A_200 [1] : vector<512x128xf32> to vector<512xf32>
    %broadcast_in_dim3A_202 = vector.shape_cast %reduce_sum3A_201 : vector<512xf32> to vector<512x1xf32>
    %get3A_203 = arith.constant 15 : index
    %get3A_204 = arith.constant 0 : index
    %get3A_205 = arith.constant 0 : index
    %get3A_206 = vector.load %arg1[%get3A_203, %get3A_204, %get3A_205] : memref<33x512x128xf32, #tpu.memory_space<vmem>>, vector<1x512x128xf32>
    %get3A_207 = vector.shape_cast %get3A_206 : vector<1x512x128xf32> to vector<512x128xf32>
    %mul3A_208 = arith.mulf %get3A_207, %get3A_1 : vector<512x128xf32>
    %reduce_sum3A_209 = arith.constant dense<0.000000e+00> : vector<512xf32>
    %reduce_sum3A_210 = vector.multi_reduction <add>, %mul3A_208, %reduce_sum3A_209 [1] : vector<512x128xf32> to vector<512xf32>
    %broadcast_in_dim3A_211 = vector.shape_cast %reduce_sum3A_210 : vector<512xf32> to vector<512x1xf32>
    %mul3A_212 = arith.mulf %get3A_207, %get3A_6 : vector<512x128xf32>
    %reduce_sum3A_213 = arith.constant dense<0.000000e+00> : vector<512xf32>
    %reduce_sum3A_214 = vector.multi_reduction <add>, %mul3A_212, %reduce_sum3A_213 [1] : vector<512x128xf32> to vector<512xf32>
    %broadcast_in_dim3A_215 = vector.shape_cast %reduce_sum3A_214 : vector<512xf32> to vector<512x1xf32>
    %get3A_216 = arith.constant 16 : index
    %get3A_217 = arith.constant 0 : index
    %get3A_218 = arith.constant 0 : index
    %get3A_219 = vector.load %arg1[%get3A_216, %get3A_217, %get3A_218] : memref<33x512x128xf32, #tpu.memory_space<vmem>>, vector<1x512x128xf32>
    %get3A_220 = vector.shape_cast %get3A_219 : vector<1x512x128xf32> to vector<512x128xf32>
    %mul3A_221 = arith.mulf %get3A_220, %get3A_1 : vector<512x128xf32>
    %reduce_sum3A_222 = arith.constant dense<0.000000e+00> : vector<512xf32>
    %reduce_sum3A_223 = vector.multi_reduction <add>, %mul3A_221, %reduce_sum3A_222 [1] : vector<512x128xf32> to vector<512xf32>
    %broadcast_in_dim3A_224 = vector.shape_cast %reduce_sum3A_223 : vector<512xf32> to vector<512x1xf32>
    %mul3A_225 = arith.mulf %get3A_220, %get3A_6 : vector<512x128xf32>
    %reduce_sum3A_226 = arith.constant dense<0.000000e+00> : vector<512xf32>
    %reduce_sum3A_227 = vector.multi_reduction <add>, %mul3A_225, %reduce_sum3A_226 [1] : vector<512x128xf32> to vector<512xf32>
    %broadcast_in_dim3A_228 = vector.shape_cast %reduce_sum3A_227 : vector<512xf32> to vector<512x1xf32>
    %get3A_229 = arith.constant 17 : index
    %get3A_230 = arith.constant 0 : index
    %get3A_231 = arith.constant 0 : index
    %get3A_232 = vector.load %arg1[%get3A_229, %get3A_230, %get3A_231] : memref<33x512x128xf32, #tpu.memory_space<vmem>>, vector<1x512x128xf32>
    %get3A_233 = vector.shape_cast %get3A_232 : vector<1x512x128xf32> to vector<512x128xf32>
    %mul3A_234 = arith.mulf %get3A_233, %get3A_1 : vector<512x128xf32>
    %reduce_sum3A_235 = arith.constant dense<0.000000e+00> : vector<512xf32>
    %reduce_sum3A_236 = vector.multi_reduction <add>, %mul3A_234, %reduce_sum3A_235 [1] : vector<512x128xf32> to vector<512xf32>
    %broadcast_in_dim3A_237 = vector.shape_cast %reduce_sum3A_236 : vector<512xf32> to vector<512x1xf32>
    %mul3A_238 = arith.mulf %get3A_233, %get3A_6 : vector<512x128xf32>
    %reduce_sum3A_239 = arith.constant dense<0.000000e+00> : vector<512xf32>
    %reduce_sum3A_240 = vector.multi_reduction <add>, %mul3A_238, %reduce_sum3A_239 [1] : vector<512x128xf32> to vector<512xf32>
    %broadcast_in_dim3A_241 = vector.shape_cast %reduce_sum3A_240 : vector<512xf32> to vector<512x1xf32>
    %get3A_242 = arith.constant 18 : index
    %get3A_243 = arith.constant 0 : index
    %get3A_244 = arith.constant 0 : index
    %get3A_245 = vector.load %arg1[%get3A_242, %get3A_243, %get3A_244] : memref<33x512x128xf32, #tpu.memory_space<vmem>>, vector<1x512x128xf32>
    %get3A_246 = vector.shape_cast %get3A_245 : vector<1x512x128xf32> to vector<512x128xf32>
    %mul3A_247 = arith.mulf %get3A_246, %get3A_1 : vector<512x128xf32>
    %reduce_sum3A_248 = arith.constant dense<0.000000e+00> : vector<512xf32>
    %reduce_sum3A_249 = vector.multi_reduction <add>, %mul3A_247, %reduce_sum3A_248 [1] : vector<512x128xf32> to vector<512xf32>
    %broadcast_in_dim3A_250 = vector.shape_cast %reduce_sum3A_249 : vector<512xf32> to vector<512x1xf32>
    %mul3A_251 = arith.mulf %get3A_246, %get3A_6 : vector<512x128xf32>
    %reduce_sum3A_252 = arith.constant dense<0.000000e+00> : vector<512xf32>
    %reduce_sum3A_253 = vector.multi_reduction <add>, %mul3A_251, %reduce_sum3A_252 [1] : vector<512x128xf32> to vector<512xf32>
    %broadcast_in_dim3A_254 = vector.shape_cast %reduce_sum3A_253 : vector<512xf32> to vector<512x1xf32>
    %get3A_255 = arith.constant 19 : index
    %get3A_256 = arith.constant 0 : index
    %get3A_257 = arith.constant 0 : index
    %get3A_258 = vector.load %arg1[%get3A_255, %get3A_256, %get3A_257] : memref<33x512x128xf32, #tpu.memory_space<vmem>>, vector<1x512x128xf32>
    %get3A_259 = vector.shape_cast %get3A_258 : vector<1x512x128xf32> to vector<512x128xf32>
    %mul3A_260 = arith.mulf %get3A_259, %get3A_1 : vector<512x128xf32>
    %reduce_sum3A_261 = arith.constant dense<0.000000e+00> : vector<512xf32>
    %reduce_sum3A_262 = vector.multi_reduction <add>, %mul3A_260, %reduce_sum3A_261 [1] : vector<512x128xf32> to vector<512xf32>
    %broadcast_in_dim3A_263 = vector.shape_cast %reduce_sum3A_262 : vector<512xf32> to vector<512x1xf32>
    %mul3A_264 = arith.mulf %get3A_259, %get3A_6 : vector<512x128xf32>
    %reduce_sum3A_265 = arith.constant dense<0.000000e+00> : vector<512xf32>
    %reduce_sum3A_266 = vector.multi_reduction <add>, %mul3A_264, %reduce_sum3A_265 [1] : vector<512x128xf32> to vector<512xf32>
    %broadcast_in_dim3A_267 = vector.shape_cast %reduce_sum3A_266 : vector<512xf32> to vector<512x1xf32>
    %get3A_268 = arith.constant 20 : index
    %get3A_269 = arith.constant 0 : index
    %get3A_270 = arith.constant 0 : index
    %get3A_271 = vector.load %arg1[%get3A_268, %get3A_269, %get3A_270] : memref<33x512x128xf32, #tpu.memory_space<vmem>>, vector<1x512x128xf32>
    %get3A_272 = vector.shape_cast %get3A_271 : vector<1x512x128xf32> to vector<512x128xf32>
    %mul3A_273 = arith.mulf %get3A_272, %get3A_1 : vector<512x128xf32>
    %reduce_sum3A_274 = arith.constant dense<0.000000e+00> : vector<512xf32>
    %reduce_sum3A_275 = vector.multi_reduction <add>, %mul3A_273, %reduce_sum3A_274 [1] : vector<512x128xf32> to vector<512xf32>
    %broadcast_in_dim3A_276 = vector.shape_cast %reduce_sum3A_275 : vector<512xf32> to vector<512x1xf32>
    %mul3A_277 = arith.mulf %get3A_272, %get3A_6 : vector<512x128xf32>
    %reduce_sum3A_278 = arith.constant dense<0.000000e+00> : vector<512xf32>
    %reduce_sum3A_279 = vector.multi_reduction <add>, %mul3A_277, %reduce_sum3A_278 [1] : vector<512x128xf32> to vector<512xf32>
    %broadcast_in_dim3A_280 = vector.shape_cast %reduce_sum3A_279 : vector<512xf32> to vector<512x1xf32>
    %get3A_281 = arith.constant 21 : index
    %get3A_282 = arith.constant 0 : index
    %get3A_283 = arith.constant 0 : index
    %get3A_284 = vector.load %arg1[%get3A_281, %get3A_282, %get3A_283] : memref<33x512x128xf32, #tpu.memory_space<vmem>>, vector<1x512x128xf32>
    %get3A_285 = vector.shape_cast %get3A_284 : vector<1x512x128xf32> to vector<512x128xf32>
    %mul3A_286 = arith.mulf %get3A_285, %get3A_1 : vector<512x128xf32>
    %reduce_sum3A_287 = arith.constant dense<0.000000e+00> : vector<512xf32>
    %reduce_sum3A_288 = vector.multi_reduction <add>, %mul3A_286, %reduce_sum3A_287 [1] : vector<512x128xf32> to vector<512xf32>
    %broadcast_in_dim3A_289 = vector.shape_cast %reduce_sum3A_288 : vector<512xf32> to vector<512x1xf32>
    %mul3A_290 = arith.mulf %get3A_285, %get3A_6 : vector<512x128xf32>
    %reduce_sum3A_291 = arith.constant dense<0.000000e+00> : vector<512xf32>
    %reduce_sum3A_292 = vector.multi_reduction <add>, %mul3A_290, %reduce_sum3A_291 [1] : vector<512x128xf32> to vector<512xf32>
    %broadcast_in_dim3A_293 = vector.shape_cast %reduce_sum3A_292 : vector<512xf32> to vector<512x1xf32>
    %get3A_294 = arith.constant 22 : index
    %get3A_295 = arith.constant 0 : index
    %get3A_296 = arith.constant 0 : index
    %get3A_297 = vector.load %arg1[%get3A_294, %get3A_295, %get3A_296] : memref<33x512x128xf32, #tpu.memory_space<vmem>>, vector<1x512x128xf32>
    %get3A_298 = vector.shape_cast %get3A_297 : vector<1x512x128xf32> to vector<512x128xf32>
    %mul3A_299 = arith.mulf %get3A_298, %get3A_1 : vector<512x128xf32>
    %reduce_sum3A_300 = arith.constant dense<0.000000e+00> : vector<512xf32>
    %reduce_sum3A_301 = vector.multi_reduction <add>, %mul3A_299, %reduce_sum3A_300 [1] : vector<512x128xf32> to vector<512xf32>
    %broadcast_in_dim3A_302 = vector.shape_cast %reduce_sum3A_301 : vector<512xf32> to vector<512x1xf32>
    %mul3A_303 = arith.mulf %get3A_298, %get3A_6 : vector<512x128xf32>
    %reduce_sum3A_304 = arith.constant dense<0.000000e+00> : vector<512xf32>
    %reduce_sum3A_305 = vector.multi_reduction <add>, %mul3A_303, %reduce_sum3A_304 [1] : vector<512x128xf32> to vector<512xf32>
    %broadcast_in_dim3A_306 = vector.shape_cast %reduce_sum3A_305 : vector<512xf32> to vector<512x1xf32>
    %get3A_307 = arith.constant 23 : index
    %get3A_308 = arith.constant 0 : index
    %get3A_309 = arith.constant 0 : index
    %get3A_310 = vector.load %arg1[%get3A_307, %get3A_308, %get3A_309] : memref<33x512x128xf32, #tpu.memory_space<vmem>>, vector<1x512x128xf32>
    %get3A_311 = vector.shape_cast %get3A_310 : vector<1x512x128xf32> to vector<512x128xf32>
    %mul3A_312 = arith.mulf %get3A_311, %get3A_1 : vector<512x128xf32>
    %reduce_sum3A_313 = arith.constant dense<0.000000e+00> : vector<512xf32>
    %reduce_sum3A_314 = vector.multi_reduction <add>, %mul3A_312, %reduce_sum3A_313 [1] : vector<512x128xf32> to vector<512xf32>
    %broadcast_in_dim3A_315 = vector.shape_cast %reduce_sum3A_314 : vector<512xf32> to vector<512x1xf32>
    %mul3A_316 = arith.mulf %get3A_311, %get3A_6 : vector<512x128xf32>
    %reduce_sum3A_317 = arith.constant dense<0.000000e+00> : vector<512xf32>
    %reduce_sum3A_318 = vector.multi_reduction <add>, %mul3A_316, %reduce_sum3A_317 [1] : vector<512x128xf32> to vector<512xf32>
    %broadcast_in_dim3A_319 = vector.shape_cast %reduce_sum3A_318 : vector<512xf32> to vector<512x1xf32>
    %get3A_320 = arith.constant 24 : index
    %get3A_321 = arith.constant 0 : index
    %get3A_322 = arith.constant 0 : index
    %get3A_323 = vector.load %arg1[%get3A_320, %get3A_321, %get3A_322] : memref<33x512x128xf32, #tpu.memory_space<vmem>>, vector<1x512x128xf32>
    %get3A_324 = vector.shape_cast %get3A_323 : vector<1x512x128xf32> to vector<512x128xf32>
    %mul3A_325 = arith.mulf %get3A_324, %get3A_1 : vector<512x128xf32>
    %reduce_sum3A_326 = arith.constant dense<0.000000e+00> : vector<512xf32>
    %reduce_sum3A_327 = vector.multi_reduction <add>, %mul3A_325, %reduce_sum3A_326 [1] : vector<512x128xf32> to vector<512xf32>
    %broadcast_in_dim3A_328 = vector.shape_cast %reduce_sum3A_327 : vector<512xf32> to vector<512x1xf32>
    %mul3A_329 = arith.mulf %get3A_324, %get3A_6 : vector<512x128xf32>
    %reduce_sum3A_330 = arith.constant dense<0.000000e+00> : vector<512xf32>
    %reduce_sum3A_331 = vector.multi_reduction <add>, %mul3A_329, %reduce_sum3A_330 [1] : vector<512x128xf32> to vector<512xf32>
    %broadcast_in_dim3A_332 = vector.shape_cast %reduce_sum3A_331 : vector<512xf32> to vector<512x1xf32>
    %get3A_333 = arith.constant 25 : index
    %get3A_334 = arith.constant 0 : index
    %get3A_335 = arith.constant 0 : index
    %get3A_336 = vector.load %arg1[%get3A_333, %get3A_334, %get3A_335] : memref<33x512x128xf32, #tpu.memory_space<vmem>>, vector<1x512x128xf32>
    %get3A_337 = vector.shape_cast %get3A_336 : vector<1x512x128xf32> to vector<512x128xf32>
    %mul3A_338 = arith.mulf %get3A_337, %get3A_1 : vector<512x128xf32>
    %reduce_sum3A_339 = arith.constant dense<0.000000e+00> : vector<512xf32>
    %reduce_sum3A_340 = vector.multi_reduction <add>, %mul3A_338, %reduce_sum3A_339 [1] : vector<512x128xf32> to vector<512xf32>
    %broadcast_in_dim3A_341 = vector.shape_cast %reduce_sum3A_340 : vector<512xf32> to vector<512x1xf32>
    %mul3A_342 = arith.mulf %get3A_337, %get3A_6 : vector<512x128xf32>
    %reduce_sum3A_343 = arith.constant dense<0.000000e+00> : vector<512xf32>
    %reduce_sum3A_344 = vector.multi_reduction <add>, %mul3A_342, %reduce_sum3A_343 [1] : vector<512x128xf32> to vector<512xf32>
    %broadcast_in_dim3A_345 = vector.shape_cast %reduce_sum3A_344 : vector<512xf32> to vector<512x1xf32>
    %get3A_346 = arith.constant 26 : index
    %get3A_347 = arith.constant 0 : index
    %get3A_348 = arith.constant 0 : index
    %get3A_349 = vector.load %arg1[%get3A_346, %get3A_347, %get3A_348] : memref<33x512x128xf32, #tpu.memory_space<vmem>>, vector<1x512x128xf32>
    %get3A_350 = vector.shape_cast %get3A_349 : vector<1x512x128xf32> to vector<512x128xf32>
    %mul3A_351 = arith.mulf %get3A_350, %get3A_1 : vector<512x128xf32>
    %reduce_sum3A_352 = arith.constant dense<0.000000e+00> : vector<512xf32>
    %reduce_sum3A_353 = vector.multi_reduction <add>, %mul3A_351, %reduce_sum3A_352 [1] : vector<512x128xf32> to vector<512xf32>
    %broadcast_in_dim3A_354 = vector.shape_cast %reduce_sum3A_353 : vector<512xf32> to vector<512x1xf32>
    %mul3A_355 = arith.mulf %get3A_350, %get3A_6 : vector<512x128xf32>
    %reduce_sum3A_356 = arith.constant dense<0.000000e+00> : vector<512xf32>
    %reduce_sum3A_357 = vector.multi_reduction <add>, %mul3A_355, %reduce_sum3A_356 [1] : vector<512x128xf32> to vector<512xf32>
    %broadcast_in_dim3A_358 = vector.shape_cast %reduce_sum3A_357 : vector<512xf32> to vector<512x1xf32>
    %get3A_359 = arith.constant 27 : index
    %get3A_360 = arith.constant 0 : index
    %get3A_361 = arith.constant 0 : index
    %get3A_362 = vector.load %arg1[%get3A_359, %get3A_360, %get3A_361] : memref<33x512x128xf32, #tpu.memory_space<vmem>>, vector<1x512x128xf32>
    %get3A_363 = vector.shape_cast %get3A_362 : vector<1x512x128xf32> to vector<512x128xf32>
    %mul3A_364 = arith.mulf %get3A_363, %get3A_1 : vector<512x128xf32>
    %reduce_sum3A_365 = arith.constant dense<0.000000e+00> : vector<512xf32>
    %reduce_sum3A_366 = vector.multi_reduction <add>, %mul3A_364, %reduce_sum3A_365 [1] : vector<512x128xf32> to vector<512xf32>
    %broadcast_in_dim3A_367 = vector.shape_cast %reduce_sum3A_366 : vector<512xf32> to vector<512x1xf32>
    %mul3A_368 = arith.mulf %get3A_363, %get3A_6 : vector<512x128xf32>
    %reduce_sum3A_369 = arith.constant dense<0.000000e+00> : vector<512xf32>
    %reduce_sum3A_370 = vector.multi_reduction <add>, %mul3A_368, %reduce_sum3A_369 [1] : vector<512x128xf32> to vector<512xf32>
    %broadcast_in_dim3A_371 = vector.shape_cast %reduce_sum3A_370 : vector<512xf32> to vector<512x1xf32>
    %get3A_372 = arith.constant 28 : index
    %get3A_373 = arith.constant 0 : index
    %get3A_374 = arith.constant 0 : index
    %get3A_375 = vector.load %arg1[%get3A_372, %get3A_373, %get3A_374] : memref<33x512x128xf32, #tpu.memory_space<vmem>>, vector<1x512x128xf32>
    %get3A_376 = vector.shape_cast %get3A_375 : vector<1x512x128xf32> to vector<512x128xf32>
    %mul3A_377 = arith.mulf %get3A_376, %get3A_1 : vector<512x128xf32>
    %reduce_sum3A_378 = arith.constant dense<0.000000e+00> : vector<512xf32>
    %reduce_sum3A_379 = vector.multi_reduction <add>, %mul3A_377, %reduce_sum3A_378 [1] : vector<512x128xf32> to vector<512xf32>
    %broadcast_in_dim3A_380 = vector.shape_cast %reduce_sum3A_379 : vector<512xf32> to vector<512x1xf32>
    %mul3A_381 = arith.mulf %get3A_376, %get3A_6 : vector<512x128xf32>
    %reduce_sum3A_382 = arith.constant dense<0.000000e+00> : vector<512xf32>
    %reduce_sum3A_383 = vector.multi_reduction <add>, %mul3A_381, %reduce_sum3A_382 [1] : vector<512x128xf32> to vector<512xf32>
    %broadcast_in_dim3A_384 = vector.shape_cast %reduce_sum3A_383 : vector<512xf32> to vector<512x1xf32>
    %get3A_385 = arith.constant 29 : index
    %get3A_386 = arith.constant 0 : index
    %get3A_387 = arith.constant 0 : index
    %get3A_388 = vector.load %arg1[%get3A_385, %get3A_386, %get3A_387] : memref<33x512x128xf32, #tpu.memory_space<vmem>>, vector<1x512x128xf32>
    %get3A_389 = vector.shape_cast %get3A_388 : vector<1x512x128xf32> to vector<512x128xf32>
    %mul3A_390 = arith.mulf %get3A_389, %get3A_1 : vector<512x128xf32>
    %reduce_sum3A_391 = arith.constant dense<0.000000e+00> : vector<512xf32>
    %reduce_sum3A_392 = vector.multi_reduction <add>, %mul3A_390, %reduce_sum3A_391 [1] : vector<512x128xf32> to vector<512xf32>
    %broadcast_in_dim3A_393 = vector.shape_cast %reduce_sum3A_392 : vector<512xf32> to vector<512x1xf32>
    %mul3A_394 = arith.mulf %get3A_389, %get3A_6 : vector<512x128xf32>
    %reduce_sum3A_395 = arith.constant dense<0.000000e+00> : vector<512xf32>
    %reduce_sum3A_396 = vector.multi_reduction <add>, %mul3A_394, %reduce_sum3A_395 [1] : vector<512x128xf32> to vector<512xf32>
    %broadcast_in_dim3A_397 = vector.shape_cast %reduce_sum3A_396 : vector<512xf32> to vector<512x1xf32>
    %get3A_398 = arith.constant 30 : index
    %get3A_399 = arith.constant 0 : index
    %get3A_400 = arith.constant 0 : index
    %get3A_401 = vector.load %arg1[%get3A_398, %get3A_399, %get3A_400] : memref<33x512x128xf32, #tpu.memory_space<vmem>>, vector<1x512x128xf32>
    %get3A_402 = vector.shape_cast %get3A_401 : vector<1x512x128xf32> to vector<512x128xf32>
    %mul3A_403 = arith.mulf %get3A_402, %get3A_1 : vector<512x128xf32>
    %reduce_sum3A_404 = arith.constant dense<0.000000e+00> : vector<512xf32>
    %reduce_sum3A_405 = vector.multi_reduction <add>, %mul3A_403, %reduce_sum3A_404 [1] : vector<512x128xf32> to vector<512xf32>
    %broadcast_in_dim3A_406 = vector.shape_cast %reduce_sum3A_405 : vector<512xf32> to vector<512x1xf32>
    %mul3A_407 = arith.mulf %get3A_402, %get3A_6 : vector<512x128xf32>
    %reduce_sum3A_408 = arith.constant dense<0.000000e+00> : vector<512xf32>
    %reduce_sum3A_409 = vector.multi_reduction <add>, %mul3A_407, %reduce_sum3A_408 [1] : vector<512x128xf32> to vector<512xf32>
    %broadcast_in_dim3A_410 = vector.shape_cast %reduce_sum3A_409 : vector<512xf32> to vector<512x1xf32>
    %get3A_411 = arith.constant 31 : index
    %get3A_412 = arith.constant 0 : index
    %get3A_413 = arith.constant 0 : index
    %get3A_414 = vector.load %arg1[%get3A_411, %get3A_412, %get3A_413] : memref<33x512x128xf32, #tpu.memory_space<vmem>>, vector<1x512x128xf32>
    %get3A_415 = vector.shape_cast %get3A_414 : vector<1x512x128xf32> to vector<512x128xf32>
    %mul3A_416 = arith.mulf %get3A_415, %get3A_1 : vector<512x128xf32>
    %reduce_sum3A_417 = arith.constant dense<0.000000e+00> : vector<512xf32>
    %reduce_sum3A_418 = vector.multi_reduction <add>, %mul3A_416, %reduce_sum3A_417 [1] : vector<512x128xf32> to vector<512xf32>
    %broadcast_in_dim3A_419 = vector.shape_cast %reduce_sum3A_418 : vector<512xf32> to vector<512x1xf32>
    %mul3A_420 = arith.mulf %get3A_415, %get3A_6 : vector<512x128xf32>
    %reduce_sum3A_421 = arith.constant dense<0.000000e+00> : vector<512xf32>
    %reduce_sum3A_422 = vector.multi_reduction <add>, %mul3A_420, %reduce_sum3A_421 [1] : vector<512x128xf32> to vector<512xf32>
    %broadcast_in_dim3A_423 = vector.shape_cast %reduce_sum3A_422 : vector<512xf32> to vector<512x1xf32>
    %concatenate3A = tpu.concatenate %broadcast_in_dim3A, %broadcast_in_dim3A_29, %broadcast_in_dim3A_42, %broadcast_in_dim3A_55, %broadcast_in_dim3A_68, %broadcast_in_dim3A_81, %broadcast_in_dim3A_94, %broadcast_in_dim3A_107, %broadcast_in_dim3A_120, %broadcast_in_dim3A_133, %broadcast_in_dim3A_146, %broadcast_in_dim3A_159, %broadcast_in_dim3A_172, %broadcast_in_dim3A_185, %broadcast_in_dim3A_198, %broadcast_in_dim3A_211, %broadcast_in_dim3A_224, %broadcast_in_dim3A_237, %broadcast_in_dim3A_250, %broadcast_in_dim3A_263, %broadcast_in_dim3A_276, %broadcast_in_dim3A_289, %broadcast_in_dim3A_302, %broadcast_in_dim3A_315, %broadcast_in_dim3A_328, %broadcast_in_dim3A_341, %broadcast_in_dim3A_354, %broadcast_in_dim3A_367, %broadcast_in_dim3A_380, %broadcast_in_dim3A_393, %broadcast_in_dim3A_406, %broadcast_in_dim3A_419 in 1 : vector<512x1xf32>, vector<512x1xf32>, vector<512x1xf32>, vector<512x1xf32>, vector<512x1xf32>, vector<512x1xf32>, vector<512x1xf32>, vector<512x1xf32>, vector<512x1xf32>, vector<512x1xf32>, vector<512x1xf32>, vector<512x1xf32>, vector<512x1xf32>, vector<512x1xf32>, vector<512x1xf32>, vector<512x1xf32>, vector<512x1xf32>, vector<512x1xf32>, vector<512x1xf32>, vector<512x1xf32>, vector<512x1xf32>, vector<512x1xf32>, vector<512x1xf32>, vector<512x1xf32>, vector<512x1xf32>, vector<512x1xf32>, vector<512x1xf32>, vector<512x1xf32>, vector<512x1xf32>, vector<512x1xf32>, vector<512x1xf32>, vector<512x1xf32> -> vector<512x32xf32>
    %add3A = arith.addf %dot_general3A_10, %concatenate3A : vector<512x32xf32>
    %mul3A_424 = arith.constant 0.0883883461 : f32
    %mul3A_425 = vector.broadcast %mul3A_424 : f32 to vector<512x32xf32>
    %mul3A_426 = arith.mulf %add3A, %mul3A_425 : vector<512x32xf32>
    %reduce_max3A = arith.constant dense<0xFF800000> : vector<512xf32>
    %reduce_max3A_427 = vector.multi_reduction <maximumf>, %mul3A_426, %reduce_max3A [1] : vector<512x32xf32> to vector<512xf32>
    %broadcast_in_dim3A_428 = vector.shape_cast %reduce_max3A_427 : vector<512xf32> to vector<512x1xf32>
    %sub3A = vector.broadcast %broadcast_in_dim3A_428 : vector<512x1xf32> to vector<512x32xf32>
    %sub3A_429 = arith.subf %mul3A_426, %sub3A : vector<512x32xf32>
    %exp3A = math.exp %sub3A_429 : vector<512x32xf32>
    %reduce_sum3A_430 = arith.constant dense<0.000000e+00> : vector<512xf32>
    %reduce_sum3A_431 = vector.multi_reduction <add>, %exp3A, %reduce_sum3A_430 [1] : vector<512x32xf32> to vector<512xf32>
    %broadcast_in_dim3A_432 = vector.shape_cast %reduce_sum3A_431 : vector<512xf32> to vector<512x1xf32>
    %div3A = vector.broadcast %broadcast_in_dim3A_432 : vector<512x1xf32> to vector<512x32xf32>
    %div3A_433 = arith.divf %exp3A, %div3A : vector<512x32xf32>
    %concatenate3A_434 = tpu.concatenate %broadcast_in_dim3A_20, %broadcast_in_dim3A_33, %broadcast_in_dim3A_46, %broadcast_in_dim3A_59, %broadcast_in_dim3A_72, %broadcast_in_dim3A_85, %broadcast_in_dim3A_98, %broadcast_in_dim3A_111, %broadcast_in_dim3A_124, %broadcast_in_dim3A_137, %broadcast_in_dim3A_150, %broadcast_in_dim3A_163, %broadcast_in_dim3A_176, %broadcast_in_dim3A_189, %broadcast_in_dim3A_202, %broadcast_in_dim3A_215, %broadcast_in_dim3A_228, %broadcast_in_dim3A_241, %broadcast_in_dim3A_254, %broadcast_in_dim3A_267, %broadcast_in_dim3A_280, %broadcast_in_dim3A_293, %broadcast_in_dim3A_306, %broadcast_in_dim3A_319, %broadcast_in_dim3A_332, %broadcast_in_dim3A_345, %broadcast_in_dim3A_358, %broadcast_in_dim3A_371, %broadcast_in_dim3A_384, %broadcast_in_dim3A_397, %broadcast_in_dim3A_410, %broadcast_in_dim3A_423 in 1 : vector<512x1xf32>, vector<512x1xf32>, vector<512x1xf32>, vector<512x1xf32>, vector<512x1xf32>, vector<512x1xf32>, vector<512x1xf32>, vector<512x1xf32>, vector<512x1xf32>, vector<512x1xf32>, vector<512x1xf32>, vector<512x1xf32>, vector<512x1xf32>, vector<512x1xf32>, vector<512x1xf32>, vector<512x1xf32>, vector<512x1xf32>, vector<512x1xf32>, vector<512x1xf32>, vector<512x1xf32>, vector<512x1xf32>, vector<512x1xf32>, vector<512x1xf32>, vector<512x1xf32>, vector<512x1xf32>, vector<512x1xf32>, vector<512x1xf32>, vector<512x1xf32>, vector<512x1xf32>, vector<512x1xf32>, vector<512x1xf32>, vector<512x1xf32> -> vector<512x32xf32>
    %mul3A_435 = arith.constant 0.0883883461 : f32
    %mul3A_436 = vector.broadcast %mul3A_435 : f32 to vector<512x32xf32>
    %mul3A_437 = arith.mulf %concatenate3A_434, %mul3A_436 : vector<512x32xf32>
    %reduce_max3A_438 = arith.constant dense<0xFF800000> : vector<512xf32>
    %reduce_max3A_439 = vector.multi_reduction <maximumf>, %mul3A_437, %reduce_max3A_438 [1] : vector<512x32xf32> to vector<512xf32>
    %broadcast_in_dim3A_440 = vector.shape_cast %reduce_max3A_439 : vector<512xf32> to vector<512x1xf32>
    %sub3A_441 = vector.broadcast %broadcast_in_dim3A_440 : vector<512x1xf32> to vector<512x32xf32>
    %sub3A_442 = arith.subf %mul3A_437, %sub3A_441 : vector<512x32xf32>
    %exp3A_443 = math.exp %sub3A_442 : vector<512x32xf32>
    %reduce_sum3A_444 = arith.constant dense<0.000000e+00> : vector<512xf32>
    %reduce_sum3A_445 = vector.multi_reduction <add>, %exp3A_443, %reduce_sum3A_444 [1] : vector<512x32xf32> to vector<512xf32>
    %broadcast_in_dim3A_446 = vector.shape_cast %reduce_sum3A_445 : vector<512xf32> to vector<512x1xf32>
    %div3A_447 = vector.broadcast %broadcast_in_dim3A_446 : vector<512x1xf32> to vector<512x32xf32>
    %div3A_448 = arith.divf %exp3A_443, %div3A_447 : vector<512x32xf32>
    %get3A_449 = arith.constant 0 : index
    %get3A_450 = arith.constant 0 : index
    %get3A_451 = vector.load %arg4[%get3A_449, %get3A_450] : memref<32x128xf32, #tpu.memory_space<vmem>>, vector<32x128xf32>
    %dot_general3A_452 = arith.constant dense<0.000000e+00> : vector<512x128xf32>
    %dot_general3A_453 = tpu.matmul %div3A_433, %get3A_451, %dot_general3A_452 {dimension_numbers = #tpu.dot_dimension_numbers<[1], [0], [0], [1], [0, 0, 1, 1], [], []>, precision = #tpu.contract_precision<fp32>, transpose_lhs_hint = false} : vector<512x32xf32>, vector<32x128xf32>, vector<512x128xf32> -> vector<512x128xf32>
    %broadcast_in_dim3A_454 = arith.constant 0.000000e+00 : f32
    %broadcast_in_dim3A_455 = vector.broadcast %broadcast_in_dim3A_454 : f32 to vector<512x128xf32>
    %get3A_456 = arith.constant 0 : index
    %get3A_457 = arith.constant 0 : index
    %get3A_458 = arith.constant 0 : index
    %get3A_459 = vector.load %arg1[%get3A_456, %get3A_457, %get3A_458] : memref<33x512x128xf32, #tpu.memory_space<vmem>>, vector<1x512x128xf32>
    %get3A_460 = vector.shape_cast %get3A_459 : vector<1x512x128xf32> to vector<512x128xf32>
    %slice3A = vector.extract_strided_slice %div3A_433 {offsets = [0, 0], sizes = [512, 1], strides = [1, 1]} : vector<512x32xf32> to vector<512x1xf32>
    %mul3A_461 = vector.broadcast %slice3A : vector<512x1xf32> to vector<512x128xf32>
    %mul3A_462 = arith.mulf %mul3A_461, %get3A_460 : vector<512x128xf32>
    %add3A_463 = arith.addf %dot_general3A_453, %mul3A_462 : vector<512x128xf32>
    %slice3A_464 = vector.extract_strided_slice %div3A_448 {offsets = [0, 0], sizes = [512, 1], strides = [1, 1]} : vector<512x32xf32> to vector<512x1xf32>
    %mul3A_465 = vector.broadcast %slice3A_464 : vector<512x1xf32> to vector<512x128xf32>
    %mul3A_466 = arith.mulf %mul3A_465, %get3A_460 : vector<512x128xf32>
    %add3A_467 = arith.addf %broadcast_in_dim3A_455, %mul3A_466 : vector<512x128xf32>
    %get3A_468 = arith.constant 1 : index
    %get3A_469 = arith.constant 0 : index
    %get3A_470 = arith.constant 0 : index
    %get3A_471 = vector.load %arg1[%get3A_468, %get3A_469, %get3A_470] : memref<33x512x128xf32, #tpu.memory_space<vmem>>, vector<1x512x128xf32>
    %get3A_472 = vector.shape_cast %get3A_471 : vector<1x512x128xf32> to vector<512x128xf32>
    %slice3A_473 = vector.extract_strided_slice %div3A_433 {offsets = [0, 1], sizes = [512, 1], strides = [1, 1]} : vector<512x32xf32> to vector<512x1xf32>
    %mul3A_474 = vector.broadcast %slice3A_473 : vector<512x1xf32> to vector<512x128xf32>
    %mul3A_475 = arith.mulf %mul3A_474, %get3A_472 : vector<512x128xf32>
    %add3A_476 = arith.addf %add3A_463, %mul3A_475 : vector<512x128xf32>
    %slice3A_477 = vector.extract_strided_slice %div3A_448 {offsets = [0, 1], sizes = [512, 1], strides = [1, 1]} : vector<512x32xf32> to vector<512x1xf32>
    %mul3A_478 = vector.broadcast %slice3A_477 : vector<512x1xf32> to vector<512x128xf32>
    %mul3A_479 = arith.mulf %mul3A_478, %get3A_472 : vector<512x128xf32>
    %add3A_480 = arith.addf %add3A_467, %mul3A_479 : vector<512x128xf32>
    %get3A_481 = arith.constant 2 : index
    %get3A_482 = arith.constant 0 : index
    %get3A_483 = arith.constant 0 : index
    %get3A_484 = vector.load %arg1[%get3A_481, %get3A_482, %get3A_483] : memref<33x512x128xf32, #tpu.memory_space<vmem>>, vector<1x512x128xf32>
    %get3A_485 = vector.shape_cast %get3A_484 : vector<1x512x128xf32> to vector<512x128xf32>
    %slice3A_486 = vector.extract_strided_slice %div3A_433 {offsets = [0, 2], sizes = [512, 1], strides = [1, 1]} : vector<512x32xf32> to vector<512x1xf32>
    %mul3A_487 = vector.broadcast %slice3A_486 : vector<512x1xf32> to vector<512x128xf32>
    %mul3A_488 = arith.mulf %mul3A_487, %get3A_485 : vector<512x128xf32>
    %add3A_489 = arith.addf %add3A_476, %mul3A_488 : vector<512x128xf32>
    %slice3A_490 = vector.extract_strided_slice %div3A_448 {offsets = [0, 2], sizes = [512, 1], strides = [1, 1]} : vector<512x32xf32> to vector<512x1xf32>
    %mul3A_491 = vector.broadcast %slice3A_490 : vector<512x1xf32> to vector<512x128xf32>
    %mul3A_492 = arith.mulf %mul3A_491, %get3A_485 : vector<512x128xf32>
    %add3A_493 = arith.addf %add3A_480, %mul3A_492 : vector<512x128xf32>
    %get3A_494 = arith.constant 3 : index
    %get3A_495 = arith.constant 0 : index
    %get3A_496 = arith.constant 0 : index
    %get3A_497 = vector.load %arg1[%get3A_494, %get3A_495, %get3A_496] : memref<33x512x128xf32, #tpu.memory_space<vmem>>, vector<1x512x128xf32>
    %get3A_498 = vector.shape_cast %get3A_497 : vector<1x512x128xf32> to vector<512x128xf32>
    %slice3A_499 = vector.extract_strided_slice %div3A_433 {offsets = [0, 3], sizes = [512, 1], strides = [1, 1]} : vector<512x32xf32> to vector<512x1xf32>
    %mul3A_500 = vector.broadcast %slice3A_499 : vector<512x1xf32> to vector<512x128xf32>
    %mul3A_501 = arith.mulf %mul3A_500, %get3A_498 : vector<512x128xf32>
    %add3A_502 = arith.addf %add3A_489, %mul3A_501 : vector<512x128xf32>
    %slice3A_503 = vector.extract_strided_slice %div3A_448 {offsets = [0, 3], sizes = [512, 1], strides = [1, 1]} : vector<512x32xf32> to vector<512x1xf32>
    %mul3A_504 = vector.broadcast %slice3A_503 : vector<512x1xf32> to vector<512x128xf32>
    %mul3A_505 = arith.mulf %mul3A_504, %get3A_498 : vector<512x128xf32>
    %add3A_506 = arith.addf %add3A_493, %mul3A_505 : vector<512x128xf32>
    %get3A_507 = arith.constant 4 : index
    %get3A_508 = arith.constant 0 : index
    %get3A_509 = arith.constant 0 : index
    %get3A_510 = vector.load %arg1[%get3A_507, %get3A_508, %get3A_509] : memref<33x512x128xf32, #tpu.memory_space<vmem>>, vector<1x512x128xf32>
    %get3A_511 = vector.shape_cast %get3A_510 : vector<1x512x128xf32> to vector<512x128xf32>
    %slice3A_512 = vector.extract_strided_slice %div3A_433 {offsets = [0, 4], sizes = [512, 1], strides = [1, 1]} : vector<512x32xf32> to vector<512x1xf32>
    %mul3A_513 = vector.broadcast %slice3A_512 : vector<512x1xf32> to vector<512x128xf32>
    %mul3A_514 = arith.mulf %mul3A_513, %get3A_511 : vector<512x128xf32>
    %add3A_515 = arith.addf %add3A_502, %mul3A_514 : vector<512x128xf32>
    %slice3A_516 = vector.extract_strided_slice %div3A_448 {offsets = [0, 4], sizes = [512, 1], strides = [1, 1]} : vector<512x32xf32> to vector<512x1xf32>
    %mul3A_517 = vector.broadcast %slice3A_516 : vector<512x1xf32> to vector<512x128xf32>
    %mul3A_518 = arith.mulf %mul3A_517, %get3A_511 : vector<512x128xf32>
    %add3A_519 = arith.addf %add3A_506, %mul3A_518 : vector<512x128xf32>
    %get3A_520 = arith.constant 5 : index
    %get3A_521 = arith.constant 0 : index
    %get3A_522 = arith.constant 0 : index
    %get3A_523 = vector.load %arg1[%get3A_520, %get3A_521, %get3A_522] : memref<33x512x128xf32, #tpu.memory_space<vmem>>, vector<1x512x128xf32>
    %get3A_524 = vector.shape_cast %get3A_523 : vector<1x512x128xf32> to vector<512x128xf32>
    %slice3A_525 = vector.extract_strided_slice %div3A_433 {offsets = [0, 5], sizes = [512, 1], strides = [1, 1]} : vector<512x32xf32> to vector<512x1xf32>
    %mul3A_526 = vector.broadcast %slice3A_525 : vector<512x1xf32> to vector<512x128xf32>
    %mul3A_527 = arith.mulf %mul3A_526, %get3A_524 : vector<512x128xf32>
    %add3A_528 = arith.addf %add3A_515, %mul3A_527 : vector<512x128xf32>
    %slice3A_529 = vector.extract_strided_slice %div3A_448 {offsets = [0, 5], sizes = [512, 1], strides = [1, 1]} : vector<512x32xf32> to vector<512x1xf32>
    %mul3A_530 = vector.broadcast %slice3A_529 : vector<512x1xf32> to vector<512x128xf32>
    %mul3A_531 = arith.mulf %mul3A_530, %get3A_524 : vector<512x128xf32>
    %add3A_532 = arith.addf %add3A_519, %mul3A_531 : vector<512x128xf32>
    %get3A_533 = arith.constant 6 : index
    %get3A_534 = arith.constant 0 : index
    %get3A_535 = arith.constant 0 : index
    %get3A_536 = vector.load %arg1[%get3A_533, %get3A_534, %get3A_535] : memref<33x512x128xf32, #tpu.memory_space<vmem>>, vector<1x512x128xf32>
    %get3A_537 = vector.shape_cast %get3A_536 : vector<1x512x128xf32> to vector<512x128xf32>
    %slice3A_538 = vector.extract_strided_slice %div3A_433 {offsets = [0, 6], sizes = [512, 1], strides = [1, 1]} : vector<512x32xf32> to vector<512x1xf32>
    %mul3A_539 = vector.broadcast %slice3A_538 : vector<512x1xf32> to vector<512x128xf32>
    %mul3A_540 = arith.mulf %mul3A_539, %get3A_537 : vector<512x128xf32>
    %add3A_541 = arith.addf %add3A_528, %mul3A_540 : vector<512x128xf32>
    %slice3A_542 = vector.extract_strided_slice %div3A_448 {offsets = [0, 6], sizes = [512, 1], strides = [1, 1]} : vector<512x32xf32> to vector<512x1xf32>
    %mul3A_543 = vector.broadcast %slice3A_542 : vector<512x1xf32> to vector<512x128xf32>
    %mul3A_544 = arith.mulf %mul3A_543, %get3A_537 : vector<512x128xf32>
    %add3A_545 = arith.addf %add3A_532, %mul3A_544 : vector<512x128xf32>
    %get3A_546 = arith.constant 7 : index
    %get3A_547 = arith.constant 0 : index
    %get3A_548 = arith.constant 0 : index
    %get3A_549 = vector.load %arg1[%get3A_546, %get3A_547, %get3A_548] : memref<33x512x128xf32, #tpu.memory_space<vmem>>, vector<1x512x128xf32>
    %get3A_550 = vector.shape_cast %get3A_549 : vector<1x512x128xf32> to vector<512x128xf32>
    %slice3A_551 = vector.extract_strided_slice %div3A_433 {offsets = [0, 7], sizes = [512, 1], strides = [1, 1]} : vector<512x32xf32> to vector<512x1xf32>
    %mul3A_552 = vector.broadcast %slice3A_551 : vector<512x1xf32> to vector<512x128xf32>
    %mul3A_553 = arith.mulf %mul3A_552, %get3A_550 : vector<512x128xf32>
    %add3A_554 = arith.addf %add3A_541, %mul3A_553 : vector<512x128xf32>
    %slice3A_555 = vector.extract_strided_slice %div3A_448 {offsets = [0, 7], sizes = [512, 1], strides = [1, 1]} : vector<512x32xf32> to vector<512x1xf32>
    %mul3A_556 = vector.broadcast %slice3A_555 : vector<512x1xf32> to vector<512x128xf32>
    %mul3A_557 = arith.mulf %mul3A_556, %get3A_550 : vector<512x128xf32>
    %add3A_558 = arith.addf %add3A_545, %mul3A_557 : vector<512x128xf32>
    %get3A_559 = arith.constant 8 : index
    %get3A_560 = arith.constant 0 : index
    %get3A_561 = arith.constant 0 : index
    %get3A_562 = vector.load %arg1[%get3A_559, %get3A_560, %get3A_561] : memref<33x512x128xf32, #tpu.memory_space<vmem>>, vector<1x512x128xf32>
    %get3A_563 = vector.shape_cast %get3A_562 : vector<1x512x128xf32> to vector<512x128xf32>
    %slice3A_564 = vector.extract_strided_slice %div3A_433 {offsets = [0, 8], sizes = [512, 1], strides = [1, 1]} : vector<512x32xf32> to vector<512x1xf32>
    %mul3A_565 = vector.broadcast %slice3A_564 : vector<512x1xf32> to vector<512x128xf32>
    %mul3A_566 = arith.mulf %mul3A_565, %get3A_563 : vector<512x128xf32>
    %add3A_567 = arith.addf %add3A_554, %mul3A_566 : vector<512x128xf32>
    %slice3A_568 = vector.extract_strided_slice %div3A_448 {offsets = [0, 8], sizes = [512, 1], strides = [1, 1]} : vector<512x32xf32> to vector<512x1xf32>
    %mul3A_569 = vector.broadcast %slice3A_568 : vector<512x1xf32> to vector<512x128xf32>
    %mul3A_570 = arith.mulf %mul3A_569, %get3A_563 : vector<512x128xf32>
    %add3A_571 = arith.addf %add3A_558, %mul3A_570 : vector<512x128xf32>
    %get3A_572 = arith.constant 9 : index
    %get3A_573 = arith.constant 0 : index
    %get3A_574 = arith.constant 0 : index
    %get3A_575 = vector.load %arg1[%get3A_572, %get3A_573, %get3A_574] : memref<33x512x128xf32, #tpu.memory_space<vmem>>, vector<1x512x128xf32>
    %get3A_576 = vector.shape_cast %get3A_575 : vector<1x512x128xf32> to vector<512x128xf32>
    %slice3A_577 = vector.extract_strided_slice %div3A_433 {offsets = [0, 9], sizes = [512, 1], strides = [1, 1]} : vector<512x32xf32> to vector<512x1xf32>
    %mul3A_578 = vector.broadcast %slice3A_577 : vector<512x1xf32> to vector<512x128xf32>
    %mul3A_579 = arith.mulf %mul3A_578, %get3A_576 : vector<512x128xf32>
    %add3A_580 = arith.addf %add3A_567, %mul3A_579 : vector<512x128xf32>
    %slice3A_581 = vector.extract_strided_slice %div3A_448 {offsets = [0, 9], sizes = [512, 1], strides = [1, 1]} : vector<512x32xf32> to vector<512x1xf32>
    %mul3A_582 = vector.broadcast %slice3A_581 : vector<512x1xf32> to vector<512x128xf32>
    %mul3A_583 = arith.mulf %mul3A_582, %get3A_576 : vector<512x128xf32>
    %add3A_584 = arith.addf %add3A_571, %mul3A_583 : vector<512x128xf32>
    %get3A_585 = arith.constant 10 : index
    %get3A_586 = arith.constant 0 : index
    %get3A_587 = arith.constant 0 : index
    %get3A_588 = vector.load %arg1[%get3A_585, %get3A_586, %get3A_587] : memref<33x512x128xf32, #tpu.memory_space<vmem>>, vector<1x512x128xf32>
    %get3A_589 = vector.shape_cast %get3A_588 : vector<1x512x128xf32> to vector<512x128xf32>
    %slice3A_590 = vector.extract_strided_slice %div3A_433 {offsets = [0, 10], sizes = [512, 1], strides = [1, 1]} : vector<512x32xf32> to vector<512x1xf32>
    %mul3A_591 = vector.broadcast %slice3A_590 : vector<512x1xf32> to vector<512x128xf32>
    %mul3A_592 = arith.mulf %mul3A_591, %get3A_589 : vector<512x128xf32>
    %add3A_593 = arith.addf %add3A_580, %mul3A_592 : vector<512x128xf32>
    %slice3A_594 = vector.extract_strided_slice %div3A_448 {offsets = [0, 10], sizes = [512, 1], strides = [1, 1]} : vector<512x32xf32> to vector<512x1xf32>
    %mul3A_595 = vector.broadcast %slice3A_594 : vector<512x1xf32> to vector<512x128xf32>
    %mul3A_596 = arith.mulf %mul3A_595, %get3A_589 : vector<512x128xf32>
    %add3A_597 = arith.addf %add3A_584, %mul3A_596 : vector<512x128xf32>
    %get3A_598 = arith.constant 11 : index
    %get3A_599 = arith.constant 0 : index
    %get3A_600 = arith.constant 0 : index
    %get3A_601 = vector.load %arg1[%get3A_598, %get3A_599, %get3A_600] : memref<33x512x128xf32, #tpu.memory_space<vmem>>, vector<1x512x128xf32>
    %get3A_602 = vector.shape_cast %get3A_601 : vector<1x512x128xf32> to vector<512x128xf32>
    %slice3A_603 = vector.extract_strided_slice %div3A_433 {offsets = [0, 11], sizes = [512, 1], strides = [1, 1]} : vector<512x32xf32> to vector<512x1xf32>
    %mul3A_604 = vector.broadcast %slice3A_603 : vector<512x1xf32> to vector<512x128xf32>
    %mul3A_605 = arith.mulf %mul3A_604, %get3A_602 : vector<512x128xf32>
    %add3A_606 = arith.addf %add3A_593, %mul3A_605 : vector<512x128xf32>
    %slice3A_607 = vector.extract_strided_slice %div3A_448 {offsets = [0, 11], sizes = [512, 1], strides = [1, 1]} : vector<512x32xf32> to vector<512x1xf32>
    %mul3A_608 = vector.broadcast %slice3A_607 : vector<512x1xf32> to vector<512x128xf32>
    %mul3A_609 = arith.mulf %mul3A_608, %get3A_602 : vector<512x128xf32>
    %add3A_610 = arith.addf %add3A_597, %mul3A_609 : vector<512x128xf32>
    %get3A_611 = arith.constant 12 : index
    %get3A_612 = arith.constant 0 : index
    %get3A_613 = arith.constant 0 : index
    %get3A_614 = vector.load %arg1[%get3A_611, %get3A_612, %get3A_613] : memref<33x512x128xf32, #tpu.memory_space<vmem>>, vector<1x512x128xf32>
    %get3A_615 = vector.shape_cast %get3A_614 : vector<1x512x128xf32> to vector<512x128xf32>
    %slice3A_616 = vector.extract_strided_slice %div3A_433 {offsets = [0, 12], sizes = [512, 1], strides = [1, 1]} : vector<512x32xf32> to vector<512x1xf32>
    %mul3A_617 = vector.broadcast %slice3A_616 : vector<512x1xf32> to vector<512x128xf32>
    %mul3A_618 = arith.mulf %mul3A_617, %get3A_615 : vector<512x128xf32>
    %add3A_619 = arith.addf %add3A_606, %mul3A_618 : vector<512x128xf32>
    %slice3A_620 = vector.extract_strided_slice %div3A_448 {offsets = [0, 12], sizes = [512, 1], strides = [1, 1]} : vector<512x32xf32> to vector<512x1xf32>
    %mul3A_621 = vector.broadcast %slice3A_620 : vector<512x1xf32> to vector<512x128xf32>
    %mul3A_622 = arith.mulf %mul3A_621, %get3A_615 : vector<512x128xf32>
    %add3A_623 = arith.addf %add3A_610, %mul3A_622 : vector<512x128xf32>
    %get3A_624 = arith.constant 13 : index
    %get3A_625 = arith.constant 0 : index
    %get3A_626 = arith.constant 0 : index
    %get3A_627 = vector.load %arg1[%get3A_624, %get3A_625, %get3A_626] : memref<33x512x128xf32, #tpu.memory_space<vmem>>, vector<1x512x128xf32>
    %get3A_628 = vector.shape_cast %get3A_627 : vector<1x512x128xf32> to vector<512x128xf32>
    %slice3A_629 = vector.extract_strided_slice %div3A_433 {offsets = [0, 13], sizes = [512, 1], strides = [1, 1]} : vector<512x32xf32> to vector<512x1xf32>
    %mul3A_630 = vector.broadcast %slice3A_629 : vector<512x1xf32> to vector<512x128xf32>
    %mul3A_631 = arith.mulf %mul3A_630, %get3A_628 : vector<512x128xf32>
    %add3A_632 = arith.addf %add3A_619, %mul3A_631 : vector<512x128xf32>
    %slice3A_633 = vector.extract_strided_slice %div3A_448 {offsets = [0, 13], sizes = [512, 1], strides = [1, 1]} : vector<512x32xf32> to vector<512x1xf32>
    %mul3A_634 = vector.broadcast %slice3A_633 : vector<512x1xf32> to vector<512x128xf32>
    %mul3A_635 = arith.mulf %mul3A_634, %get3A_628 : vector<512x128xf32>
    %add3A_636 = arith.addf %add3A_623, %mul3A_635 : vector<512x128xf32>
    %get3A_637 = arith.constant 14 : index
    %get3A_638 = arith.constant 0 : index
    %get3A_639 = arith.constant 0 : index
    %get3A_640 = vector.load %arg1[%get3A_637, %get3A_638, %get3A_639] : memref<33x512x128xf32, #tpu.memory_space<vmem>>, vector<1x512x128xf32>
    %get3A_641 = vector.shape_cast %get3A_640 : vector<1x512x128xf32> to vector<512x128xf32>
    %slice3A_642 = vector.extract_strided_slice %div3A_433 {offsets = [0, 14], sizes = [512, 1], strides = [1, 1]} : vector<512x32xf32> to vector<512x1xf32>
    %mul3A_643 = vector.broadcast %slice3A_642 : vector<512x1xf32> to vector<512x128xf32>
    %mul3A_644 = arith.mulf %mul3A_643, %get3A_641 : vector<512x128xf32>
    %add3A_645 = arith.addf %add3A_632, %mul3A_644 : vector<512x128xf32>
    %slice3A_646 = vector.extract_strided_slice %div3A_448 {offsets = [0, 14], sizes = [512, 1], strides = [1, 1]} : vector<512x32xf32> to vector<512x1xf32>
    %mul3A_647 = vector.broadcast %slice3A_646 : vector<512x1xf32> to vector<512x128xf32>
    %mul3A_648 = arith.mulf %mul3A_647, %get3A_641 : vector<512x128xf32>
    %add3A_649 = arith.addf %add3A_636, %mul3A_648 : vector<512x128xf32>
    %get3A_650 = arith.constant 15 : index
    %get3A_651 = arith.constant 0 : index
    %get3A_652 = arith.constant 0 : index
    %get3A_653 = vector.load %arg1[%get3A_650, %get3A_651, %get3A_652] : memref<33x512x128xf32, #tpu.memory_space<vmem>>, vector<1x512x128xf32>
    %get3A_654 = vector.shape_cast %get3A_653 : vector<1x512x128xf32> to vector<512x128xf32>
    %slice3A_655 = vector.extract_strided_slice %div3A_433 {offsets = [0, 15], sizes = [512, 1], strides = [1, 1]} : vector<512x32xf32> to vector<512x1xf32>
    %mul3A_656 = vector.broadcast %slice3A_655 : vector<512x1xf32> to vector<512x128xf32>
    %mul3A_657 = arith.mulf %mul3A_656, %get3A_654 : vector<512x128xf32>
    %add3A_658 = arith.addf %add3A_645, %mul3A_657 : vector<512x128xf32>
    %slice3A_659 = vector.extract_strided_slice %div3A_448 {offsets = [0, 15], sizes = [512, 1], strides = [1, 1]} : vector<512x32xf32> to vector<512x1xf32>
    %mul3A_660 = vector.broadcast %slice3A_659 : vector<512x1xf32> to vector<512x128xf32>
    %mul3A_661 = arith.mulf %mul3A_660, %get3A_654 : vector<512x128xf32>
    %add3A_662 = arith.addf %add3A_649, %mul3A_661 : vector<512x128xf32>
    %get3A_663 = arith.constant 16 : index
    %get3A_664 = arith.constant 0 : index
    %get3A_665 = arith.constant 0 : index
    %get3A_666 = vector.load %arg1[%get3A_663, %get3A_664, %get3A_665] : memref<33x512x128xf32, #tpu.memory_space<vmem>>, vector<1x512x128xf32>
    %get3A_667 = vector.shape_cast %get3A_666 : vector<1x512x128xf32> to vector<512x128xf32>
    %slice3A_668 = vector.extract_strided_slice %div3A_433 {offsets = [0, 16], sizes = [512, 1], strides = [1, 1]} : vector<512x32xf32> to vector<512x1xf32>
    %mul3A_669 = vector.broadcast %slice3A_668 : vector<512x1xf32> to vector<512x128xf32>
    %mul3A_670 = arith.mulf %mul3A_669, %get3A_667 : vector<512x128xf32>
    %add3A_671 = arith.addf %add3A_658, %mul3A_670 : vector<512x128xf32>
    %slice3A_672 = vector.extract_strided_slice %div3A_448 {offsets = [0, 16], sizes = [512, 1], strides = [1, 1]} : vector<512x32xf32> to vector<512x1xf32>
    %mul3A_673 = vector.broadcast %slice3A_672 : vector<512x1xf32> to vector<512x128xf32>
    %mul3A_674 = arith.mulf %mul3A_673, %get3A_667 : vector<512x128xf32>
    %add3A_675 = arith.addf %add3A_662, %mul3A_674 : vector<512x128xf32>
    %get3A_676 = arith.constant 17 : index
    %get3A_677 = arith.constant 0 : index
    %get3A_678 = arith.constant 0 : index
    %get3A_679 = vector.load %arg1[%get3A_676, %get3A_677, %get3A_678] : memref<33x512x128xf32, #tpu.memory_space<vmem>>, vector<1x512x128xf32>
    %get3A_680 = vector.shape_cast %get3A_679 : vector<1x512x128xf32> to vector<512x128xf32>
    %slice3A_681 = vector.extract_strided_slice %div3A_433 {offsets = [0, 17], sizes = [512, 1], strides = [1, 1]} : vector<512x32xf32> to vector<512x1xf32>
    %mul3A_682 = vector.broadcast %slice3A_681 : vector<512x1xf32> to vector<512x128xf32>
    %mul3A_683 = arith.mulf %mul3A_682, %get3A_680 : vector<512x128xf32>
    %add3A_684 = arith.addf %add3A_671, %mul3A_683 : vector<512x128xf32>
    %slice3A_685 = vector.extract_strided_slice %div3A_448 {offsets = [0, 17], sizes = [512, 1], strides = [1, 1]} : vector<512x32xf32> to vector<512x1xf32>
    %mul3A_686 = vector.broadcast %slice3A_685 : vector<512x1xf32> to vector<512x128xf32>
    %mul3A_687 = arith.mulf %mul3A_686, %get3A_680 : vector<512x128xf32>
    %add3A_688 = arith.addf %add3A_675, %mul3A_687 : vector<512x128xf32>
    %get3A_689 = arith.constant 18 : index
    %get3A_690 = arith.constant 0 : index
    %get3A_691 = arith.constant 0 : index
    %get3A_692 = vector.load %arg1[%get3A_689, %get3A_690, %get3A_691] : memref<33x512x128xf32, #tpu.memory_space<vmem>>, vector<1x512x128xf32>
    %get3A_693 = vector.shape_cast %get3A_692 : vector<1x512x128xf32> to vector<512x128xf32>
    %slice3A_694 = vector.extract_strided_slice %div3A_433 {offsets = [0, 18], sizes = [512, 1], strides = [1, 1]} : vector<512x32xf32> to vector<512x1xf32>
    %mul3A_695 = vector.broadcast %slice3A_694 : vector<512x1xf32> to vector<512x128xf32>
    %mul3A_696 = arith.mulf %mul3A_695, %get3A_693 : vector<512x128xf32>
    %add3A_697 = arith.addf %add3A_684, %mul3A_696 : vector<512x128xf32>
    %slice3A_698 = vector.extract_strided_slice %div3A_448 {offsets = [0, 18], sizes = [512, 1], strides = [1, 1]} : vector<512x32xf32> to vector<512x1xf32>
    %mul3A_699 = vector.broadcast %slice3A_698 : vector<512x1xf32> to vector<512x128xf32>
    %mul3A_700 = arith.mulf %mul3A_699, %get3A_693 : vector<512x128xf32>
    %add3A_701 = arith.addf %add3A_688, %mul3A_700 : vector<512x128xf32>
    %get3A_702 = arith.constant 19 : index
    %get3A_703 = arith.constant 0 : index
    %get3A_704 = arith.constant 0 : index
    %get3A_705 = vector.load %arg1[%get3A_702, %get3A_703, %get3A_704] : memref<33x512x128xf32, #tpu.memory_space<vmem>>, vector<1x512x128xf32>
    %get3A_706 = vector.shape_cast %get3A_705 : vector<1x512x128xf32> to vector<512x128xf32>
    %slice3A_707 = vector.extract_strided_slice %div3A_433 {offsets = [0, 19], sizes = [512, 1], strides = [1, 1]} : vector<512x32xf32> to vector<512x1xf32>
    %mul3A_708 = vector.broadcast %slice3A_707 : vector<512x1xf32> to vector<512x128xf32>
    %mul3A_709 = arith.mulf %mul3A_708, %get3A_706 : vector<512x128xf32>
    %add3A_710 = arith.addf %add3A_697, %mul3A_709 : vector<512x128xf32>
    %slice3A_711 = vector.extract_strided_slice %div3A_448 {offsets = [0, 19], sizes = [512, 1], strides = [1, 1]} : vector<512x32xf32> to vector<512x1xf32>
    %mul3A_712 = vector.broadcast %slice3A_711 : vector<512x1xf32> to vector<512x128xf32>
    %mul3A_713 = arith.mulf %mul3A_712, %get3A_706 : vector<512x128xf32>
    %add3A_714 = arith.addf %add3A_701, %mul3A_713 : vector<512x128xf32>
    %get3A_715 = arith.constant 20 : index
    %get3A_716 = arith.constant 0 : index
    %get3A_717 = arith.constant 0 : index
    %get3A_718 = vector.load %arg1[%get3A_715, %get3A_716, %get3A_717] : memref<33x512x128xf32, #tpu.memory_space<vmem>>, vector<1x512x128xf32>
    %get3A_719 = vector.shape_cast %get3A_718 : vector<1x512x128xf32> to vector<512x128xf32>
    %slice3A_720 = vector.extract_strided_slice %div3A_433 {offsets = [0, 20], sizes = [512, 1], strides = [1, 1]} : vector<512x32xf32> to vector<512x1xf32>
    %mul3A_721 = vector.broadcast %slice3A_720 : vector<512x1xf32> to vector<512x128xf32>
    %mul3A_722 = arith.mulf %mul3A_721, %get3A_719 : vector<512x128xf32>
    %add3A_723 = arith.addf %add3A_710, %mul3A_722 : vector<512x128xf32>
    %slice3A_724 = vector.extract_strided_slice %div3A_448 {offsets = [0, 20], sizes = [512, 1], strides = [1, 1]} : vector<512x32xf32> to vector<512x1xf32>
    %mul3A_725 = vector.broadcast %slice3A_724 : vector<512x1xf32> to vector<512x128xf32>
    %mul3A_726 = arith.mulf %mul3A_725, %get3A_719 : vector<512x128xf32>
    %add3A_727 = arith.addf %add3A_714, %mul3A_726 : vector<512x128xf32>
    %get3A_728 = arith.constant 21 : index
    %get3A_729 = arith.constant 0 : index
    %get3A_730 = arith.constant 0 : index
    %get3A_731 = vector.load %arg1[%get3A_728, %get3A_729, %get3A_730] : memref<33x512x128xf32, #tpu.memory_space<vmem>>, vector<1x512x128xf32>
    %get3A_732 = vector.shape_cast %get3A_731 : vector<1x512x128xf32> to vector<512x128xf32>
    %slice3A_733 = vector.extract_strided_slice %div3A_433 {offsets = [0, 21], sizes = [512, 1], strides = [1, 1]} : vector<512x32xf32> to vector<512x1xf32>
    %mul3A_734 = vector.broadcast %slice3A_733 : vector<512x1xf32> to vector<512x128xf32>
    %mul3A_735 = arith.mulf %mul3A_734, %get3A_732 : vector<512x128xf32>
    %add3A_736 = arith.addf %add3A_723, %mul3A_735 : vector<512x128xf32>
    %slice3A_737 = vector.extract_strided_slice %div3A_448 {offsets = [0, 21], sizes = [512, 1], strides = [1, 1]} : vector<512x32xf32> to vector<512x1xf32>
    %mul3A_738 = vector.broadcast %slice3A_737 : vector<512x1xf32> to vector<512x128xf32>
    %mul3A_739 = arith.mulf %mul3A_738, %get3A_732 : vector<512x128xf32>
    %add3A_740 = arith.addf %add3A_727, %mul3A_739 : vector<512x128xf32>
    %get3A_741 = arith.constant 22 : index
    %get3A_742 = arith.constant 0 : index
    %get3A_743 = arith.constant 0 : index
    %get3A_744 = vector.load %arg1[%get3A_741, %get3A_742, %get3A_743] : memref<33x512x128xf32, #tpu.memory_space<vmem>>, vector<1x512x128xf32>
    %get3A_745 = vector.shape_cast %get3A_744 : vector<1x512x128xf32> to vector<512x128xf32>
    %slice3A_746 = vector.extract_strided_slice %div3A_433 {offsets = [0, 22], sizes = [512, 1], strides = [1, 1]} : vector<512x32xf32> to vector<512x1xf32>
    %mul3A_747 = vector.broadcast %slice3A_746 : vector<512x1xf32> to vector<512x128xf32>
    %mul3A_748 = arith.mulf %mul3A_747, %get3A_745 : vector<512x128xf32>
    %add3A_749 = arith.addf %add3A_736, %mul3A_748 : vector<512x128xf32>
    %slice3A_750 = vector.extract_strided_slice %div3A_448 {offsets = [0, 22], sizes = [512, 1], strides = [1, 1]} : vector<512x32xf32> to vector<512x1xf32>
    %mul3A_751 = vector.broadcast %slice3A_750 : vector<512x1xf32> to vector<512x128xf32>
    %mul3A_752 = arith.mulf %mul3A_751, %get3A_745 : vector<512x128xf32>
    %add3A_753 = arith.addf %add3A_740, %mul3A_752 : vector<512x128xf32>
    %get3A_754 = arith.constant 23 : index
    %get3A_755 = arith.constant 0 : index
    %get3A_756 = arith.constant 0 : index
    %get3A_757 = vector.load %arg1[%get3A_754, %get3A_755, %get3A_756] : memref<33x512x128xf32, #tpu.memory_space<vmem>>, vector<1x512x128xf32>
    %get3A_758 = vector.shape_cast %get3A_757 : vector<1x512x128xf32> to vector<512x128xf32>
    %slice3A_759 = vector.extract_strided_slice %div3A_433 {offsets = [0, 23], sizes = [512, 1], strides = [1, 1]} : vector<512x32xf32> to vector<512x1xf32>
    %mul3A_760 = vector.broadcast %slice3A_759 : vector<512x1xf32> to vector<512x128xf32>
    %mul3A_761 = arith.mulf %mul3A_760, %get3A_758 : vector<512x128xf32>
    %add3A_762 = arith.addf %add3A_749, %mul3A_761 : vector<512x128xf32>
    %slice3A_763 = vector.extract_strided_slice %div3A_448 {offsets = [0, 23], sizes = [512, 1], strides = [1, 1]} : vector<512x32xf32> to vector<512x1xf32>
    %mul3A_764 = vector.broadcast %slice3A_763 : vector<512x1xf32> to vector<512x128xf32>
    %mul3A_765 = arith.mulf %mul3A_764, %get3A_758 : vector<512x128xf32>
    %add3A_766 = arith.addf %add3A_753, %mul3A_765 : vector<512x128xf32>
    %get3A_767 = arith.constant 24 : index
    %get3A_768 = arith.constant 0 : index
    %get3A_769 = arith.constant 0 : index
    %get3A_770 = vector.load %arg1[%get3A_767, %get3A_768, %get3A_769] : memref<33x512x128xf32, #tpu.memory_space<vmem>>, vector<1x512x128xf32>
    %get3A_771 = vector.shape_cast %get3A_770 : vector<1x512x128xf32> to vector<512x128xf32>
    %slice3A_772 = vector.extract_strided_slice %div3A_433 {offsets = [0, 24], sizes = [512, 1], strides = [1, 1]} : vector<512x32xf32> to vector<512x1xf32>
    %mul3A_773 = vector.broadcast %slice3A_772 : vector<512x1xf32> to vector<512x128xf32>
    %mul3A_774 = arith.mulf %mul3A_773, %get3A_771 : vector<512x128xf32>
    %add3A_775 = arith.addf %add3A_762, %mul3A_774 : vector<512x128xf32>
    %slice3A_776 = vector.extract_strided_slice %div3A_448 {offsets = [0, 24], sizes = [512, 1], strides = [1, 1]} : vector<512x32xf32> to vector<512x1xf32>
    %mul3A_777 = vector.broadcast %slice3A_776 : vector<512x1xf32> to vector<512x128xf32>
    %mul3A_778 = arith.mulf %mul3A_777, %get3A_771 : vector<512x128xf32>
    %add3A_779 = arith.addf %add3A_766, %mul3A_778 : vector<512x128xf32>
    %get3A_780 = arith.constant 25 : index
    %get3A_781 = arith.constant 0 : index
    %get3A_782 = arith.constant 0 : index
    %get3A_783 = vector.load %arg1[%get3A_780, %get3A_781, %get3A_782] : memref<33x512x128xf32, #tpu.memory_space<vmem>>, vector<1x512x128xf32>
    %get3A_784 = vector.shape_cast %get3A_783 : vector<1x512x128xf32> to vector<512x128xf32>
    %slice3A_785 = vector.extract_strided_slice %div3A_433 {offsets = [0, 25], sizes = [512, 1], strides = [1, 1]} : vector<512x32xf32> to vector<512x1xf32>
    %mul3A_786 = vector.broadcast %slice3A_785 : vector<512x1xf32> to vector<512x128xf32>
    %mul3A_787 = arith.mulf %mul3A_786, %get3A_784 : vector<512x128xf32>
    %add3A_788 = arith.addf %add3A_775, %mul3A_787 : vector<512x128xf32>
    %slice3A_789 = vector.extract_strided_slice %div3A_448 {offsets = [0, 25], sizes = [512, 1], strides = [1, 1]} : vector<512x32xf32> to vector<512x1xf32>
    %mul3A_790 = vector.broadcast %slice3A_789 : vector<512x1xf32> to vector<512x128xf32>
    %mul3A_791 = arith.mulf %mul3A_790, %get3A_784 : vector<512x128xf32>
    %add3A_792 = arith.addf %add3A_779, %mul3A_791 : vector<512x128xf32>
    %get3A_793 = arith.constant 26 : index
    %get3A_794 = arith.constant 0 : index
    %get3A_795 = arith.constant 0 : index
    %get3A_796 = vector.load %arg1[%get3A_793, %get3A_794, %get3A_795] : memref<33x512x128xf32, #tpu.memory_space<vmem>>, vector<1x512x128xf32>
    %get3A_797 = vector.shape_cast %get3A_796 : vector<1x512x128xf32> to vector<512x128xf32>
    %slice3A_798 = vector.extract_strided_slice %div3A_433 {offsets = [0, 26], sizes = [512, 1], strides = [1, 1]} : vector<512x32xf32> to vector<512x1xf32>
    %mul3A_799 = vector.broadcast %slice3A_798 : vector<512x1xf32> to vector<512x128xf32>
    %mul3A_800 = arith.mulf %mul3A_799, %get3A_797 : vector<512x128xf32>
    %add3A_801 = arith.addf %add3A_788, %mul3A_800 : vector<512x128xf32>
    %slice3A_802 = vector.extract_strided_slice %div3A_448 {offsets = [0, 26], sizes = [512, 1], strides = [1, 1]} : vector<512x32xf32> to vector<512x1xf32>
    %mul3A_803 = vector.broadcast %slice3A_802 : vector<512x1xf32> to vector<512x128xf32>
    %mul3A_804 = arith.mulf %mul3A_803, %get3A_797 : vector<512x128xf32>
    %add3A_805 = arith.addf %add3A_792, %mul3A_804 : vector<512x128xf32>
    %get3A_806 = arith.constant 27 : index
    %get3A_807 = arith.constant 0 : index
    %get3A_808 = arith.constant 0 : index
    %get3A_809 = vector.load %arg1[%get3A_806, %get3A_807, %get3A_808] : memref<33x512x128xf32, #tpu.memory_space<vmem>>, vector<1x512x128xf32>
    %get3A_810 = vector.shape_cast %get3A_809 : vector<1x512x128xf32> to vector<512x128xf32>
    %slice3A_811 = vector.extract_strided_slice %div3A_433 {offsets = [0, 27], sizes = [512, 1], strides = [1, 1]} : vector<512x32xf32> to vector<512x1xf32>
    %mul3A_812 = vector.broadcast %slice3A_811 : vector<512x1xf32> to vector<512x128xf32>
    %mul3A_813 = arith.mulf %mul3A_812, %get3A_810 : vector<512x128xf32>
    %add3A_814 = arith.addf %add3A_801, %mul3A_813 : vector<512x128xf32>
    %slice3A_815 = vector.extract_strided_slice %div3A_448 {offsets = [0, 27], sizes = [512, 1], strides = [1, 1]} : vector<512x32xf32> to vector<512x1xf32>
    %mul3A_816 = vector.broadcast %slice3A_815 : vector<512x1xf32> to vector<512x128xf32>
    %mul3A_817 = arith.mulf %mul3A_816, %get3A_810 : vector<512x128xf32>
    %add3A_818 = arith.addf %add3A_805, %mul3A_817 : vector<512x128xf32>
    %get3A_819 = arith.constant 28 : index
    %get3A_820 = arith.constant 0 : index
    %get3A_821 = arith.constant 0 : index
    %get3A_822 = vector.load %arg1[%get3A_819, %get3A_820, %get3A_821] : memref<33x512x128xf32, #tpu.memory_space<vmem>>, vector<1x512x128xf32>
    %get3A_823 = vector.shape_cast %get3A_822 : vector<1x512x128xf32> to vector<512x128xf32>
    %slice3A_824 = vector.extract_strided_slice %div3A_433 {offsets = [0, 28], sizes = [512, 1], strides = [1, 1]} : vector<512x32xf32> to vector<512x1xf32>
    %mul3A_825 = vector.broadcast %slice3A_824 : vector<512x1xf32> to vector<512x128xf32>
    %mul3A_826 = arith.mulf %mul3A_825, %get3A_823 : vector<512x128xf32>
    %add3A_827 = arith.addf %add3A_814, %mul3A_826 : vector<512x128xf32>
    %slice3A_828 = vector.extract_strided_slice %div3A_448 {offsets = [0, 28], sizes = [512, 1], strides = [1, 1]} : vector<512x32xf32> to vector<512x1xf32>
    %mul3A_829 = vector.broadcast %slice3A_828 : vector<512x1xf32> to vector<512x128xf32>
    %mul3A_830 = arith.mulf %mul3A_829, %get3A_823 : vector<512x128xf32>
    %add3A_831 = arith.addf %add3A_818, %mul3A_830 : vector<512x128xf32>
    %get3A_832 = arith.constant 29 : index
    %get3A_833 = arith.constant 0 : index
    %get3A_834 = arith.constant 0 : index
    %get3A_835 = vector.load %arg1[%get3A_832, %get3A_833, %get3A_834] : memref<33x512x128xf32, #tpu.memory_space<vmem>>, vector<1x512x128xf32>
    %get3A_836 = vector.shape_cast %get3A_835 : vector<1x512x128xf32> to vector<512x128xf32>
    %slice3A_837 = vector.extract_strided_slice %div3A_433 {offsets = [0, 29], sizes = [512, 1], strides = [1, 1]} : vector<512x32xf32> to vector<512x1xf32>
    %mul3A_838 = vector.broadcast %slice3A_837 : vector<512x1xf32> to vector<512x128xf32>
    %mul3A_839 = arith.mulf %mul3A_838, %get3A_836 : vector<512x128xf32>
    %add3A_840 = arith.addf %add3A_827, %mul3A_839 : vector<512x128xf32>
    %slice3A_841 = vector.extract_strided_slice %div3A_448 {offsets = [0, 29], sizes = [512, 1], strides = [1, 1]} : vector<512x32xf32> to vector<512x1xf32>
    %mul3A_842 = vector.broadcast %slice3A_841 : vector<512x1xf32> to vector<512x128xf32>
    %mul3A_843 = arith.mulf %mul3A_842, %get3A_836 : vector<512x128xf32>
    %add3A_844 = arith.addf %add3A_831, %mul3A_843 : vector<512x128xf32>
    %get3A_845 = arith.constant 30 : index
    %get3A_846 = arith.constant 0 : index
    %get3A_847 = arith.constant 0 : index
    %get3A_848 = vector.load %arg1[%get3A_845, %get3A_846, %get3A_847] : memref<33x512x128xf32, #tpu.memory_space<vmem>>, vector<1x512x128xf32>
    %get3A_849 = vector.shape_cast %get3A_848 : vector<1x512x128xf32> to vector<512x128xf32>
    %slice3A_850 = vector.extract_strided_slice %div3A_433 {offsets = [0, 30], sizes = [512, 1], strides = [1, 1]} : vector<512x32xf32> to vector<512x1xf32>
    %mul3A_851 = vector.broadcast %slice3A_850 : vector<512x1xf32> to vector<512x128xf32>
    %mul3A_852 = arith.mulf %mul3A_851, %get3A_849 : vector<512x128xf32>
    %add3A_853 = arith.addf %add3A_840, %mul3A_852 : vector<512x128xf32>
    %slice3A_854 = vector.extract_strided_slice %div3A_448 {offsets = [0, 30], sizes = [512, 1], strides = [1, 1]} : vector<512x32xf32> to vector<512x1xf32>
    %mul3A_855 = vector.broadcast %slice3A_854 : vector<512x1xf32> to vector<512x128xf32>
    %mul3A_856 = arith.mulf %mul3A_855, %get3A_849 : vector<512x128xf32>
    %add3A_857 = arith.addf %add3A_844, %mul3A_856 : vector<512x128xf32>
    %get3A_858 = arith.constant 31 : index
    %get3A_859 = arith.constant 0 : index
    %get3A_860 = arith.constant 0 : index
    %get3A_861 = vector.load %arg1[%get3A_858, %get3A_859, %get3A_860] : memref<33x512x128xf32, #tpu.memory_space<vmem>>, vector<1x512x128xf32>
    %get3A_862 = vector.shape_cast %get3A_861 : vector<1x512x128xf32> to vector<512x128xf32>
    %slice3A_863 = vector.extract_strided_slice %div3A_433 {offsets = [0, 31], sizes = [512, 1], strides = [1, 1]} : vector<512x32xf32> to vector<512x1xf32>
    %mul3A_864 = vector.broadcast %slice3A_863 : vector<512x1xf32> to vector<512x128xf32>
    %mul3A_865 = arith.mulf %mul3A_864, %get3A_862 : vector<512x128xf32>
    %add3A_866 = arith.addf %add3A_853, %mul3A_865 : vector<512x128xf32>
    %slice3A_867 = vector.extract_strided_slice %div3A_448 {offsets = [0, 31], sizes = [512, 1], strides = [1, 1]} : vector<512x32xf32> to vector<512x1xf32>
    %mul3A_868 = vector.broadcast %slice3A_867 : vector<512x1xf32> to vector<512x128xf32>
    %mul3A_869 = arith.mulf %mul3A_868, %get3A_862 : vector<512x128xf32>
    %add3A_870 = arith.addf %add3A_857, %mul3A_869 : vector<512x128xf32>
    %get3A_871 = arith.constant 0 : index
    %get3A_872 = arith.constant 0 : index
    %get3A_873 = vector.load %arg5[%get3A_871, %get3A_872] : memref<256x128xf32, #tpu.memory_space<vmem>>, vector<128x128xf32>
    %dot_general3A_874 = arith.constant dense<0.000000e+00> : vector<512x128xf32>
    %dot_general3A_875 = tpu.matmul %add3A_866, %get3A_873, %dot_general3A_874 {dimension_numbers = #tpu.dot_dimension_numbers<[1], [0], [0], [1], [0, 0, 1, 1], [], []>, precision = #tpu.contract_precision<fp32>, transpose_lhs_hint = false} : vector<512x128xf32>, vector<128x128xf32>, vector<512x128xf32> -> vector<512x128xf32>
    %get3A_876 = arith.constant 128 : index
    %get3A_877 = arith.constant 0 : index
    %get3A_878 = vector.load %arg5[%get3A_876, %get3A_877] : memref<256x128xf32, #tpu.memory_space<vmem>>, vector<128x128xf32>
    %dot_general3A_879 = arith.constant dense<0.000000e+00> : vector<512x128xf32>
    %dot_general3A_880 = tpu.matmul %add3A_870, %get3A_878, %dot_general3A_879 {dimension_numbers = #tpu.dot_dimension_numbers<[1], [0], [0], [1], [0, 0, 1, 1], [], []>, precision = #tpu.contract_precision<fp32>, transpose_lhs_hint = false} : vector<512x128xf32>, vector<128x128xf32>, vector<512x128xf32> -> vector<512x128xf32>
    %add3A_881 = arith.addf %dot_general3A_875, %dot_general3A_880 : vector<512x128xf32>
    %get3A_882 = arith.constant 0 : index
    %get3A_883 = arith.constant 0 : index
    %get3A_884 = vector.load %arg7[%get3A_882, %get3A_883] : memref<256x128xf32, #tpu.memory_space<vmem>>, vector<128x128xf32>
    %dot_general3A_885 = arith.constant dense<0.000000e+00> : vector<512x128xf32>
    %dot_general3A_886 = tpu.matmul %add3A_881, %get3A_884, %dot_general3A_885 {dimension_numbers = #tpu.dot_dimension_numbers<[1], [0], [0], [1], [0, 0, 1, 1], [], []>, precision = #tpu.contract_precision<fp32>, transpose_lhs_hint = false} : vector<512x128xf32>, vector<128x128xf32>, vector<512x128xf32> -> vector<512x128xf32>
    %get3A_887 = arith.constant 0 : index
    %get3A_888 = arith.constant 0 : index
    %get3A_889 = vector.load %arg6[%get3A_887, %get3A_888] : memref<512x128xf32, #tpu.memory_space<vmem>>, vector<512x128xf32>
    %get3A_890 = arith.constant 128 : index
    %get3A_891 = arith.constant 0 : index
    %get3A_892 = vector.load %arg7[%get3A_890, %get3A_891] : memref<256x128xf32, #tpu.memory_space<vmem>>, vector<128x128xf32>
    %dot_general3A_893 = arith.constant dense<0.000000e+00> : vector<512x128xf32>
    %dot_general3A_894 = tpu.matmul %get3A_889, %get3A_892, %dot_general3A_893 {dimension_numbers = #tpu.dot_dimension_numbers<[1], [0], [0], [1], [0, 0, 1, 1], [], []>, precision = #tpu.contract_precision<fp32>, transpose_lhs_hint = false} : vector<512x128xf32>, vector<128x128xf32>, vector<512x128xf32> -> vector<512x128xf32>
    %add3A_895 = arith.addf %dot_general3A_886, %dot_general3A_894 : vector<512x128xf32>
    %tanh3A = math.tanh %add3A_895 : vector<512x128xf32>
    %swap3A = arith.constant 0 : index
    %swap3A_896 = arith.constant 0 : index
    %swap3A_897 = vector.load %arg8[%swap3A, %swap3A_896] : memref<512x128xf32, #tpu.memory_space<vmem>>, vector<512x128xf32>
    tpu.vector_store %arg8[%swap3A, %swap3A_896], %tanh3A {strides = array<i32>} : memref<512x128xf32, #tpu.memory_space<vmem>>, vector<512x128xf32>,
    return
  }
  func.func @transform_0(%arg0: i32) -> (i32, i32, i32) {
    %c0_i32 = arith.constant 0 : i32
    %c0_i32_0 = arith.constant 0 : i32
    %c0_i32_1 = arith.constant 0 : i32
    return %c0_i32, %arg0, %c0_i32_0 : i32, i32, i32
  }
  func.func @transform_1(%arg0: i32) -> (i32, i32) {
    %c0_i32 = arith.constant 0 : i32
    %c0_i32_0 = arith.constant 0 : i32
    return %arg0, %c0_i32 : i32, i32
  }
  func.func @transform_2(%arg0: i32) -> (i32, i32) {
    %c0_i32 = arith.constant 0 : i32
    %c0_i32_0 = arith.constant 0 : i32
    %c0_i32_1 = arith.constant 0 : i32
    return %c0_i32, %c0_i32_0 : i32, i32
  }
  func.func @transform_3(%arg0: i32) -> (i32, i32) {
    %c0_i32 = arith.constant 0 : i32
    %c0_i32_0 = arith.constant 0 : i32
    %c0_i32_1 = arith.constant 0 : i32
    return %c0_i32, %c0_i32_0 : i32, i32
  }
  func.func @transform_4(%arg0: i32) -> (i32, i32) {
    %c0_i32 = arith.constant 0 : i32
    %c0_i32_0 = arith.constant 0 : i32
    %c0_i32_1 = arith.constant 0 : i32
    return %c0_i32, %c0_i32_0 : i32, i32
  }
  func.func @transform_5(%arg0: i32) -> (i32, i32) {
    %c0_i32 = arith.constant 0 : i32
    %c0_i32_0 = arith.constant 0 : i32
    return %arg0, %c0_i32 : i32, i32
  }
  func.func @transform_6(%arg0: i32) -> (i32, i32) {
    %c0_i32 = arith.constant 0 : i32
    %c0_i32_0 = arith.constant 0 : i32
    %c0_i32_1 = arith.constant 0 : i32
    return %c0_i32, %c0_i32_0 : i32, i32
  }
  func.func @transform_7(%arg0: i32) -> (i32, i32) {
    %c0_i32 = arith.constant 0 : i32
    %c0_i32_0 = arith.constant 0 : i32
    return %arg0, %c0_i32 : i32, i32
  }
}

</mosaic_0001>

<sc_bundles>
// kernel: kernel.10.cloned.1.call-start
scs
__scs_entry_jumppad:
0x0: {  	(pc) =	sbr.rel $0x88, $3  }
0x1: {  	(tag) =	ssettag $0x0;
	lr =	simm.s32 $0x1  }
0x2: {  	[smem:$0x3F91] =	sst lr;
	_ =	strace $0xD0000000  }
0x3: {  	_ = 	snop  }
0x4: {  	_ = 	snop  }
0x5: {  	_ = 	snop  }
0x6: {  	_ = 	snop  }
0x7: {  	_ = 	snop  }
__scs_overlays_trampoline_lowered:
0x8: {  	[smem:$0x3FA0] =	sst s0  }
0x9: {  	[smem:$0x3FA1] =	sst s1  }
0xa: {  	[smem:$0x3FA2] =	sst s2  }
0xb: {  	[smem:$0x3FA3] =	sst s3  }
0xc: {  	[smem:$0x3FA4] =	sst s4  }
0xd: {  	[smem:$0x3FA5] =	sst s5  }
0xe: {  	[smem:$0x3FA6] =	sst s6  }
0xf: {  	[smem:$0x3FA7] =	sst s7  }
0x10: {  	[smem:$0x3FA8] =	sst s8  }
0x11: {  	[smem:$0x3FA9] =	sst s9;
	s0 =	simm.s32 @!p0 $0x0  }
0x12: {  	s1 =	sld [smem:$0x3F8F];
	s0 =	simm.s32 @p0 $0x1  }
0x13: {  	[smem:$0x3FAA] =	sst s0;
	s0 =	simm.s32 @!p1 $0x0  }
0x14: {  	s2 =	sld [smem:$0x3F8E];
	s0 =	simm.s32 @p1 $0x1  }
0x15: {  	[smem:$0x3FAB] =	sst s0;
	s0 =	simm.s32 @!p2 $0x0  }
0x16: {  	s3 =	sld [smem:$0x3FDB];
	s0 =	simm.s32 @p2 $0x1  }
0x17: {  	s4 =	simm.s32 $0x1BF5;
	[smem:$0x3FAD] =	sst s0  }
0x18: {  	s0 =	sld [smem:$0x3F90];
	_ =	swait.ge [sflag:s4], $0x0  }
0x19: {  	s7 =	sld [smem:$0x3F91]  }
0x1a: {  	s8 =	sadd.s32 $0xFFFFE003, lr  }
0x1b: {  	s9 =	sadd.s32 $0xFFFFFEF7, lr;
	s5 =	simm.s32 $0xFFFFFFFF;
	p2 =	slt.u32 s8, $0xFFFFF086  }
0x1c: {  	p1 =	slt.u32 s9, $0xF7A;
	s5 =	simm.s32 @!p2 $0x0  }
0x1d: {  	s5 =	simm.s32 @p1 $0x1;
	p0 =	seq.s32 s7, s2  }
0x1e: {  	s7 =	smul.u32 @!p0 $0xF7A, s2;
	p2 =	seq.s32 @!p0 s5, $0x0  }
0x1f: {  	s9 =	smul.u32 $0xF7A, s1;
	s8 =	simm.s32 @!p0 $0x1BF5;
	p2 =	por !p2, p0  }
0x20: {  	[sflag:s8] =	ssyncset.s32 @!p0 $0xFFFFF086;
	s6 =	sadd.s32 @!p0 s3, s7;
	s7 =	simm.s32 @!p0 $0x108  }
0x21: {  	s3 =	sadd.s32 s3, s9;
	s6 =	sadd.s32 @!p0 $0x88, s6;
	s7 =	simm.s32 @p2 $0x1082  }
0x22: {  	[simem:s7], [sflag:s8] =	dma.local @!p0 [hbm:s6], $0xF7A  }
0x23: {  	s9 =	sor.u32 $0xD0000000, s2;
	s6 =	simm.s32 $0x108;
	_ =	swait.ge @!p0 [sflag:s8], $0x0  }
0x24: {  	s3 =	sadd.s32 $0x88, s3;
	s6 =	simm.s32 @!p1 $0x1082;
	[sflag:s4] =	ssyncset.s32 $0xFFFFF086  }
0x25: {  	[simem:s6], [sflag:s4] =	dma.local [hbm:s3], $0xF7A  }
0x26: {  	[smem:$0x3F91] =	sst s1;
	(tag) =	ssettag s2;
	_ =	strace s9  }
0x27: {  	s1 =	sld [smem:$0x3FA1]  }
0x28: {  	s2 =	sld [smem:$0x3FA2]  }
0x29: {  	s4 =	sld [smem:$0x3FA4]  }
0x2a: {  	p0 =	seq.s32 s5, $0x0;
	s5 =	sld [smem:$0x3FA5]  }
0x2b: {  	s6 =	sld [smem:$0x3FA6]  }
0x2c: {  	s7 =	sld [smem:$0x3FA7]  }
0x2d: {  	s3 =	simm.s32 $0x108;
	s8 =	sld [smem:$0x3FA8]  }
0x2e: {  	s3 =	simm.s32 @!p0 $0x1082;
	s9 =	sld [smem:$0x3FA9]  }
0x2f: {  	lr =	sadd.s32 s0, s3;
	s0 =	sld [smem:$0x3FA0]  }
0x30: {  	s3 =	sld [smem:$0x3FA3]  }
0x31: {  	[smem:$0x3FAC] =	sst s10  }
0x32: {  	s10 =	sld [smem:$0x3FAA];
	_ =	sdelay $0x3  }
0x33: {  	p0 =	seq.s32 s10, $0x1;
	s10 =	sld [smem:$0x3FAC];
	_ =	sdelay $0x3  }
0x34: {  	[smem:$0x3FAC] =	sst s10  }
0x35: {  	s10 =	sld [smem:$0x3FAB];
	_ =	sdelay $0x3  }
0x36: {  	p1 =	seq.s32 s10, $0x1;
	s10 =	sld [smem:$0x3FAC];
	_ =	sdelay $0x3  }
0x37: {  	[smem:$0x3FAC] =	sst s10  }
0x38: {  	s10 =	sld [smem:$0x3FAD]  }
0x39: {  	_ = 	snop;
	(pc) =	sbr.ind lr, $3  }
0x3a: {  	_ = 	snop  }
0x3b: {  	_ = 	snop  }
0x3c: {  	p2 =	seq.s32 s10, $0x1;
	s10 =	sld [smem:$0x3FAC]  }
0x3d: {  	_ =	shalt  }
0x3e: {  	_ =	shalt  }
0x3f: {  	_ =	shalt  }
0x40: {  	_ =	shalt  }
0x41: {  	_ =	shalt  }
0x42: {  	_ =	shalt  }
0x43: {  	_ =	shalt  }
0x44: {  	_ =	shalt  }
0x45: {  	_ =	shalt  }
0x46: {  	_ =	shalt  }
0x47: {  	_ =	shalt  }
0x48: {  	_ =	shalt  }
0x49: {  	_ =	shalt  }
0x4a: {  	_ =	shalt  }
0x4b: {  	_ =	shalt  }
0x4c: {  	_ =	shalt  }
0x4d: {  	_ =	shalt  }
0x4e: {  	_ =	shalt  }
0x4f: {  	_ =	shalt  }
0x50: {  	_ =	shalt  }
0x51: {  	_ =	shalt  }
0x52: {  	_ =	shalt  }
0x53: {  	_ =	shalt  }
0x54: {  	_ =	shalt  }
0x55: {  	_ =	shalt  }
0x56: {  	_ =	shalt  }
0x57: {  	_ =	shalt  }
0x58: {  	_ =	shalt  }
0x59: {  	_ =	shalt  }
0x5a: {  	_ =	shalt  }
0x5b: {  	_ =	shalt  }
0x5c: {  	_ =	shalt  }
0x5d: {  	_ =	shalt  }
0x5e: {  	_ =	shalt  }
0x5f: {  	_ =	shalt  }
0x60: {  	_ =	shalt  }
0x61: {  	_ =	shalt  }
0x62: {  	_ =	shalt  }
0x63: {  	_ =	shalt  }
0x64: {  	_ =	shalt  }
0x65: {  	_ =	shalt  }
0x66: {  	_ =	shalt  }
0x67: {  	_ =	shalt  }
0x68: {  	_ =	shalt  }
0x69: {  	_ =	shalt  }
0x6a: {  	_ =	shalt  }
0x6b: {  	_ =	shalt  }
0x6c: {  	_ =	shalt  }
0x6d: {  	_ =	shalt  }
0x6e: {  	_ =	shalt  }
0x6f: {  	_ =	shalt  }
0x70: {  	_ =	shalt  }
0x71: {  	_ =	shalt  }
0x72: {  	_ =	shalt  }
0x73: {  	_ =	shalt  }
0x74: {  	_ =	shalt  }
0x75: {  	_ =	shalt  }
0x76: {  	_ =	shalt  }
0x77: {  	_ =	shalt  }
0x78: {  	_ =	shalt  }
0x79: {  	_ =	shalt  }
0x7a: {  	_ =	shalt  }
0x7b: {  	_ =	shalt  }
0x7c: {  	_ =	shalt  }
0x7d: {  	_ =	shalt  }
0x7e: {  	_ =	shalt  }
0x7f: {  	_ =	shalt  }
0x80: {  	_ =	shalt  }
0x81: {  	_ =	shalt  }
0x82: {  	_ =	shalt  }
0x83: {  	_ =	shalt  }
0x84: {  	_ =	shalt  }
0x85: {  	_ =	shalt  }
0x86: {  	_ =	shalt  }
0x87: {  	_ =	shalt  }
.Lfunc_end0:
.L_simem_size_0:
called_computation_lowered:
.L_overlay_start_0:
0x88: {  	s2 =	sld [smem:$0x3FD9]  }
0x89: {  	s3 =	sld [smem:$0x3FFE];
	_ =	sdelay $0x1  }
0x8a: {  	s1 =	srdreg.scid  }
0x8b: {  	s0 =	sand.u32 $0x1, s1  }
0x8c: {  	s14 =	sshll.u32 s0, $0xA;
	s2 =	sadd.s32 s3, s2  }
0x8d: {  	s2 =	sadd.s32 s2, s14  }
0x8e: {  	[smem:$0x3FB8] =	sst s2  }
0x8f: {  	_ = 	snop  }
0x90: {  	s2 =	sld [smem:$0x3FD0];
	_ =	sdelay $0x2  }
0x91: {  	s15 =	simm.s32 $0xA;
	s4 =	simm.s32 $0x10  }
0x92: {  	[smem:s4], [sflag:s15] =	dma.local [hbm:s2], $0x1  }
0x93: {  	_ =	swait.eq [sflag:s15], $0x1  }
0x94: {  	[sflag:s15] =	ssyncset.done $0x0  }
0x95: {  	[sflag:s15] =	ssyncadd.s32 $0xFFFFFFFF  }
0x96: {  	s16 =	sld [smem:$0x11];
	(tm) =	ssettm $0x1  }
0x97: {  	s17 =	sld [smem:$0x3FFB];
	_ =	sdelay $0x3  }
0x98: {  	_ =	strace s17  }
0x99: {  	s3 =	sld [smem:$0x3FFC];
	_ =	sdelay $0x3  }
0x9a: {  	_ =	strace s3  }
0x9b: {  	s3 =	sld [smem:$0x3FFD];
	_ =	sdelay $0x3  }
0x9c: {  	_ =	strace s3  }
0x9d: {  	_ =	strace $0x8FFFFFFF  }
0x9e: {  	s18 =	sld [smem:$0x3FDB];
	_ =	sdelay $0x1  }
0x9f: {  	s19 =	simm.s32 $_scs_section_size  }
0xa0: {  	s5 =	simm.s32 $_size__tile_overlayer_lowered;
	s6 =	simm.s32 $_tile_overlayer_lowered  }
0xa1: {  	s22 =	simm.s32 $0x1BFF;
	s21 =	sshll.u32 s6, $0x1;
	s3 =	sadd.s32 s19, s18  }
0xa2: {  	s7 =	simm.s32 $0x0;
	s20 =	sshll.u32 s5, $0x1;
	s5 =	sadd.s32 s21, s3  }
0xa3: {  	[timem:s7], [sflag:s22] =	dma.local [hbm:s5], s20  }
0xa4: {  	_ =	swait.ge [sflag:s22], s20  }
0xa5: {  	s4 =	ssub.s32 $0x0, s20;
	[sflag:s22] =	ssyncset.done $0x0  }
0xa6: {  	[sflag:s22] =	ssyncadd.s32 s4;
	_ =	sdelay $0x1  }
0xa7: {  	s23 =	simm.s32 $0x1B8B  }
0xa8: {  	_ =	swait.ge [sflag:s23], $0x1  }
0xa9: {  	[sflag:s23] =	ssyncset.done $0x0  }
0xaa: {  	s25 =	simm.s32 $0x1B8E;
	s24 =	sld [smem:$0x3FFE];
	[sflag:s23] =	ssyncadd.s32 $0xFFFFFFFF  }
0xab: {  	s26 =	simm.s32 $execute0_lowered;
	[smem:$0x3FD2] =	sst s25  }
0xac: {  	s5 =	sshll.u32 s26, $0x1;
	_ =	strace $0x80000046;
	[dreg:$0x1] =	wrdreg $0xFFFFFFFF  }
0xad: {  	s28 =	simm.s32 $_size_execute0_lowered;
	s3 =	sadd.s32 s3, s5;
	[dreg:$0x0] =	wrdreg $0x0  }
0xae: {  	s5 =	sshll.u32 s28, $0x1;
	[dreg:$0x2] =	wrdreg s3  }
0xaf: {  	[dreg:$0x3] =	wrdreg s5  }
0xb0: {  	[dreg:$0x4] =	wrdreg $0xC0  }
0xb1: {  	_ =	task [dreg:s7], $0x5FFFF  }
0xb2: {  	[dreg:$0x1] =	wrdreg $0xFFFFFFFF  }
0xb3: {  	[dreg:$0x0] =	wrdreg $0x60  }
0xb4: {  	[dreg:$0x2] =	wrdreg s24  }
0xb5: {  	[dreg:$0x3] =	wrdreg s16  }
0xb6: {  	[dreg:$0x4] =	wrdreg $0x9  }
0xb7: {  	_ =	task.clear_ibuf [dreg:s7], $0x5FFFF;
	_ =	strace $0x90000046  }
0xb8: {  	s29 =	simm.s32 $0x9;
	_ =	strace $0x80000048  }
0xb9: {  	_ =	swait.ge [sflag:s29], $0x1  }
0xba: {  	[sflag:s29] =	ssyncadd.s32 $0xFFFFFFFF  }
0xbb: {  	_ =	strace $0x90000048  }
0xbc: {  	_ =	sfence  }
0xbd: {  	s30 =	sld [smem:$0x0];
	_ =	sdelay $0x2  }
0xbe: {  	s31 =	sshll.u32 s1, $0xD;
	s1 =	sshrl.u32 s1, $0x2  }
0xbf: {  	s3 =	sand.u32 $0x4000, s31;
	s1 =	sadd.s32 s1, s30  }
0xc0: {  	s0 =	sor.u32 s3, s0;
	s1 =	sshll.u32 s1, $0x11  }
0xc1: {  	s0 =	sor.u32 s1, s0  }
0xc2: {  	s0 =	sadd.s32 $0x8F2B, s0  }
0xc3: {  	[sflag:s0] =	ssyncadd.remote.s32 $0x1  }
0xc4: {  	_ =	sfence.sel $0xFFFF  }
0xc5: {  	[dreg:$0x0] =	wrdreg $0xFFFFFFFF;
	(pc) =	sbr.abs _section_cstart, $3  }
0xc6: {  	[dreg:$0x1] =	wrdreg $0xFFFFFFFF  }
0xc7: {  	_ =	task.clear_ibuf [dreg:s7], $0x2FFFF;
	_ =	strace $0x9FFFFFFF  }
0xc8: {  	(tm) =	ssettm $0x7FFFFFFF  }
0xc9: {  	_ =	shalt  }
tec
execute0_lowered:
.L_overlay_start_1:
0x0: {  	(tag) =	ssettag $0x1  }
0x1: {  	s4 =	rddreg [dreg:$0x0]  }
0x2: {  	s5 =	rddreg [dreg:$0x1]  }
0x3: {  	s0 =	rddreg [dreg:$0x2]  }
0x4: {  	s2 =	simm.s32 $0x0;
	s3 =	srdreg.scid;
	s1 =	stileid.u32  }
0x5: {  	[smem:$0x7FF] =	sst s2;
	s6 =	sand.u32 $0x1, s3;
	s3 =	sadd.s32 $0x2B400, s4  }
0x6: {  	s7 =	sshll.u32 s1, $0xC;
	s31 =	sshll.u32 s1, $0x5;
	_ =	strace $0x80000047  }
0x7: {  	s8 =	ssub.s32 $0x2, s6;
	s4 =	sadd.s32 s7, s4;
	s9 =	sshll.u32 s6, $0xB  }
0x8: {  	s10 =	sshll.u32 s6, $0x4;
	s29 =	sshrl.u32 s8, $0x1;
	s30 =	sadd.s32 s9, s4  }
0x9: {  	s4 =	sshll.u32 s1, $0x1;
	s9 =	sadd.s32 s31, s5;
	s7 =	ssub.s32 s8, s29  }
0xa: {  	s6 =	sadd.s32 $0x53400, s30;
	s5 =	smax.u32 s7, $0x1;
	s7 =	sadd.s32 s10, s9  }
.LBB2_1:
0xb: {  	s8 =	sadd.s32 $0x0, s4  }
0xc: {  	p0 =	sgt.u32 s8, $0xA4F  }
0xd: {  	s8 =	simm.s32 @!p0 $0x0;
	s9 =	simm.s32 @!p0 $0x3  }
0xe: {  	[tilespmem:s8], [sflag:$0x3] =	stream.linear.gather @!p0 [hbm4b:s7+s8], $0x80, $0x38;
	[tilespmem:$0x4080] =	vst v63  }
0xf: {  	_ =	swait.ge @!p0 [sflag:s9], $0x80  }
0x10: {  	[sflag:s9] =	ssyncset.done @!p0 $0x0;
	p0 =	por p0, p0  }
0x11: {  	[sflag:s9] =	ssyncadd.s32 @!p0 $0xFFFFFF80;
	s10 =	simm.s32 @!p0 $0x80;
	s11 =	simm.s32 @!p0 $0x1  }
0x12: {  	[tilespmem:s10], [sflag:$0x1] =	stream.indirect.gather @!p0 [hbm4b:s3+s10], $0x80, s8, s10, $0xb8;
	[tilespmem:$0x4080] =	vst v63  }
0x13: {  	_ =	swait.ge @!p0 [sflag:s11], $0x4000  }
0x14: {  	[sflag:s11] =	ssyncset.done @!p0 $0x0  }
0x15: {  	s31 =	sadd.s32 $0x20, s4;
	[sflag:s11] =	ssyncadd.s32 @!p0 $0xFFFFC000;
	s11 =	simm.s32 @!p0 $0x2  }
0x16: {  	[hbm4b:s6+s8] =	stream.linear.scatter @!p0 [tilespmem:s10], [sflag:$0x2], $0x4000, $0x38;
	[tilespmem:$0x4080] =	vst v63  }
0x17: {  	p1 =	sgt.u32 s31, $0xA4F;
	s9 =	simm.s32 $0x40;
	_ =	swait.ge @!p0 [sflag:s11], $0x4000  }
0x18: {  	s10 =	sadd.s32 $0x200, s7;
	s8 =	sadd.s32 $0x10000, s6;
	[sflag:s11] =	ssyncset.done @!p0 $0x0  }
.LBB2_2:
0x19: {  	s12 =	simm.s32 @!p1 $0x0;
	s13 =	simm.s32 @!p1 $0x3;
	[sflag:s11] =	ssyncadd.s32 @!p0 $0xFFFFC000  }
0x1a: {  	[tilespmem:s12], [sflag:$0x3] =	stream.linear.gather @!p1 [hbm4b:s10+s12], $0x80, $0x38;
	[tilespmem:$0x4080] =	vst v63  }
0x1b: {  	s14 =	smov.u32 s9;
	s9 =	sadd.s32 $0x20, s9;
	_ =	swait.ge @!p1 [sflag:s13], $0x80  }
0x1c: {  	p0 =	por p1, p1;
	p2 =	sne.s32 s9, $0xA60;
	[sflag:s13] =	ssyncset.done @!p1 $0x0  }
0x1d: {  	s11 =	simm.s32 @!p0 $0x1;
	[sflag:s13] =	ssyncadd.s32 @!p0 $0xFFFFFF80;
	s13 =	simm.s32 @!p0 $0x80  }
0x1e: {  	[tilespmem:s13], [sflag:$0x1] =	stream.indirect.gather @!p0 [hbm4b:s3+s13], $0x80, s12, s13, $0xb8;
	[tilespmem:$0x4080] =	vst v63  }
0x1f: {  	_ =	swait.ge @!p0 [sflag:s11], $0x4000  }
.Ltmp0:
0x20: {  	[sflag:s11] =	ssyncset.done @!p0 $0x0;
	(pc) =	sbr.rel @p2 .LBB2_2-.Ltmp0, $4  }
0x21: {  	[sflag:s11] =	ssyncadd.s32 @!p0 $0xFFFFC000;
	s11 =	simm.s32 @!p0 $0x2  }
0x22: {  	[hbm4b:s8+s12] =	stream.linear.scatter @!p0 [tilespmem:s13], [sflag:$0x2], $0x4000, $0x38;
	[tilespmem:$0x4080] =	vst v63  }
0x23: {  	s10 =	sadd.s32 $0x200, s10;
	s12 =	sadd.s32 s14, s4;
	_ =	swait.ge @!p0 [sflag:s11], $0x4000  }
0x24: {  	s8 =	sadd.s32 $0x10000, s8;
	p1 =	sgt.u32 s12, $0xA4F;
	[sflag:s11] =	ssyncset.done @!p0 $0x0  }
0x25: {  	s9 =	simm.s32 @!p1 $0x0;
	s12 =	simm.s32 @!p1 $0x3;
	[sflag:s11] =	ssyncadd.s32 @!p0 $0xFFFFC000  }
0x26: {  	[tilespmem:s9], [sflag:$0x3] =	stream.linear.gather @!p1 [hbm4b:s10+s9], $0x80, $0x38;
	[tilespmem:$0x4080] =	vst v63  }
0x27: {  	_ =	swait.ge @!p1 [sflag:s12], $0x80  }
0x28: {  	p0 =	por p1, p1;
	[sflag:s12] =	ssyncset.done @!p1 $0x0  }
0x29: {  	s10 =	simm.s32 @!p0 $0x80;
	s11 =	simm.s32 @!p0 $0x1;
	[sflag:s12] =	ssyncadd.s32 @!p0 $0xFFFFFF80  }
0x2a: {  	[tilespmem:s10], [sflag:$0x1] =	stream.indirect.gather @!p0 [hbm4b:s3+s10], $0x80, s9, s10, $0xb8;
	[tilespmem:$0x4080] =	vst v63  }
0x2b: {  	s2 =	sadd.s32 $0x1, s2;
	_ =	swait.ge @!p0 [sflag:s11], $0x4000  }
0x2c: {  	p1 =	sne.s32 s2, s5;
	[sflag:s11] =	ssyncset.done @!p0 $0x0  }
.Ltmp1:
0x2d: {  	[sflag:s11] =	ssyncadd.s32 @!p0 $0xFFFFC000;
	s11 =	simm.s32 @!p0 $0x2;
	(pc) =	sbr.rel @p1 .LBB2_1-.Ltmp1, $4  }
0x2e: {  	[hbm4b:s8+s9] =	stream.linear.scatter @!p0 [tilespmem:s10], [sflag:$0x2], $0x4000, $0x38;
	[tilespmem:$0x4080] =	vst v63  }
0x2f: {  	_ =	swait.ge @!p0 [sflag:s11], $0x4000  }
0x30: {  	[sflag:s11] =	ssyncset.done @!p0 $0x0  }
0x31: {  	[sflag:s11] =	ssyncadd.s32 @!p0 $0xFFFFC000  }
0x32: {  	_ =	sfence.sel $0x180000  }
0x33: {  	[bflag:$0x0] =	sbarrier.arrive $0xFFFF  }
0x34: {  	p0 =	sne.s32 s1, $0x0;
	_ =	strace $0x90000047  }
0x35: {  	s0 =	sadd.s32 @!p0 $0x100000, s0;
	[bflag:$0x2] =	sbarrier.arrive $0xFFFF  }
0x36: {  	[sflag:s0] =	ssyncadd.tile.s32 @!p0 $0x1;
	_ =	shalt  }
.Lfunc_end2:
_tile_overlayer_lowered:
.L_overlay_start_2:
0x37: {  	(tag) =	ssettag $0x2  }
0x38: {  	s0 =	rddreg [dreg:$0x0];
	s2 =	stileid.u32  }
0x39: {  	s1 =	rddreg [dreg:$0x1];
	p0 =	sne.s32 s2, $0x0  }
0x3a: {  	s3 =	rddreg [dreg:$0x2];
	[bflag:$0x3] =	sbarrier.arrive $0xFFFF;
	s2 =	simm.s32 @!p0 $0x1C02  }
0x3b: {  	[timem:s3], [sflag:s2] =	dma.local @!p0 [hbm:s0], s1  }
0x3c: {  	s0 =	simm.s32 @!p0 $0x2  }
0x3d: {  	_ =	swait.ge @!p0 [sflag:s0], s1  }
0x3e: {  	s1 =	ssub.s32 @!p0 $0x0, s1;
	[sflag:s0] =	ssyncset.done @!p0 $0x0  }
0x3f: {  	[sflag:s0] =	ssyncadd.s32 @!p0 s1  }
0x40: {  	[bflag:$0x3] =	sbarrier.arrive $0xFFFF  }
0x41: {  	_ =	shalt  }

// kernel: kernel.13.cloned.1.call-start
scs
__scs_entry_jumppad:
0x0: {  	(pc) =	sbr.rel $0x88, $3  }
0x1: {  	(tag) =	ssettag $0x0;
	lr =	simm.s32 $0x1  }
0x2: {  	[smem:$0x3F91] =	sst lr;
	_ =	strace $0xD0000000  }
0x3: {  	_ = 	snop  }
0x4: {  	_ = 	snop  }
0x5: {  	_ = 	snop  }
0x6: {  	_ = 	snop  }
0x7: {  	_ = 	snop  }
__scs_overlays_trampoline_lowered:
0x8: {  	[smem:$0x3FA0] =	sst s0  }
0x9: {  	[smem:$0x3FA1] =	sst s1  }
0xa: {  	[smem:$0x3FA2] =	sst s2  }
0xb: {  	[smem:$0x3FA3] =	sst s3  }
0xc: {  	[smem:$0x3FA4] =	sst s4  }
0xd: {  	[smem:$0x3FA5] =	sst s5  }
0xe: {  	[smem:$0x3FA6] =	sst s6  }
0xf: {  	[smem:$0x3FA7] =	sst s7  }
0x10: {  	[smem:$0x3FA8] =	sst s8  }
0x11: {  	[smem:$0x3FA9] =	sst s9;
	s0 =	simm.s32 @!p0 $0x0  }
0x12: {  	s1 =	sld [smem:$0x3F8F];
	s0 =	simm.s32 @p0 $0x1  }
0x13: {  	[smem:$0x3FAA] =	sst s0;
	s0 =	simm.s32 @!p1 $0x0  }
0x14: {  	s2 =	sld [smem:$0x3F8E];
	s0 =	simm.s32 @p1 $0x1  }
0x15: {  	[smem:$0x3FAB] =	sst s0;
	s0 =	simm.s32 @!p2 $0x0  }
0x16: {  	s3 =	sld [smem:$0x3FDB];
	s0 =	simm.s32 @p2 $0x1  }
0x17: {  	s4 =	simm.s32 $0x1BF5;
	[smem:$0x3FAD] =	sst s0  }
0x18: {  	s0 =	sld [smem:$0x3F90];
	_ =	swait.ge [sflag:s4], $0x0  }
0x19: {  	s7 =	sld [smem:$0x3F91]  }
0x1a: {  	s8 =	sadd.s32 $0xFFFFE003, lr  }
0x1b: {  	s9 =	sadd.s32 $0xFFFFFEF7, lr;
	s5 =	simm.s32 $0xFFFFFFFF;
	p2 =	slt.u32 s8, $0xFFFFF086  }
0x1c: {  	p1 =	slt.u32 s9, $0xF7A;
	s5 =	simm.s32 @!p2 $0x0  }
0x1d: {  	s5 =	simm.s32 @p1 $0x1;
	p0 =	seq.s32 s7, s2  }
0x1e: {  	s7 =	smul.u32 @!p0 $0xF7A, s2;
	p2 =	seq.s32 @!p0 s5, $0x0  }
0x1f: {  	s9 =	smul.u32 $0xF7A, s1;
	s8 =	simm.s32 @!p0 $0x1BF5;
	p2 =	por !p2, p0  }
0x20: {  	[sflag:s8] =	ssyncset.s32 @!p0 $0xFFFFF086;
	s6 =	sadd.s32 @!p0 s3, s7;
	s7 =	simm.s32 @!p0 $0x108  }
0x21: {  	s3 =	sadd.s32 s3, s9;
	s6 =	sadd.s32 @!p0 $0x88, s6;
	s7 =	simm.s32 @p2 $0x1082  }
0x22: {  	[simem:s7], [sflag:s8] =	dma.local @!p0 [hbm:s6], $0xF7A  }
0x23: {  	s9 =	sor.u32 $0xD0000000, s2;
	s6 =	simm.s32 $0x108;
	_ =	swait.ge @!p0 [sflag:s8], $0x0  }
0x24: {  	s3 =	sadd.s32 $0x88, s3;
	s6 =	simm.s32 @!p1 $0x1082;
	[sflag:s4] =	ssyncset.s32 $0xFFFFF086  }
0x25: {  	[simem:s6], [sflag:s4] =	dma.local [hbm:s3], $0xF7A  }
0x26: {  	[smem:$0x3F91] =	sst s1;
	(tag) =	ssettag s2;
	_ =	strace s9  }
0x27: {  	s1 =	sld [smem:$0x3FA1]  }
0x28: {  	s2 =	sld [smem:$0x3FA2]  }
0x29: {  	s4 =	sld [smem:$0x3FA4]  }
0x2a: {  	p0 =	seq.s32 s5, $0x0;
	s5 =	sld [smem:$0x3FA5]  }
0x2b: {  	s6 =	sld [smem:$0x3FA6]  }
0x2c: {  	s7 =	sld [smem:$0x3FA7]  }
0x2d: {  	s3 =	simm.s32 $0x108;
	s8 =	sld [smem:$0x3FA8]  }
0x2e: {  	s3 =	simm.s32 @!p0 $0x1082;
	s9 =	sld [smem:$0x3FA9]  }
0x2f: {  	lr =	sadd.s32 s0, s3;
	s0 =	sld [smem:$0x3FA0]  }
0x30: {  	s3 =	sld [smem:$0x3FA3]  }
0x31: {  	[smem:$0x3FAC] =	sst s10  }
0x32: {  	s10 =	sld [smem:$0x3FAA];
	_ =	sdelay $0x3  }
0x33: {  	p0 =	seq.s32 s10, $0x1;
	s10 =	sld [smem:$0x3FAC];
	_ =	sdelay $0x3  }
0x34: {  	[smem:$0x3FAC] =	sst s10  }
0x35: {  	s10 =	sld [smem:$0x3FAB];
	_ =	sdelay $0x3  }
0x36: {  	p1 =	seq.s32 s10, $0x1;
	s10 =	sld [smem:$0x3FAC];
	_ =	sdelay $0x3  }
0x37: {  	[smem:$0x3FAC] =	sst s10  }
0x38: {  	s10 =	sld [smem:$0x3FAD]  }
0x39: {  	_ = 	snop;
	(pc) =	sbr.ind lr, $3  }
0x3a: {  	_ = 	snop  }
0x3b: {  	_ = 	snop  }
0x3c: {  	p2 =	seq.s32 s10, $0x1;
	s10 =	sld [smem:$0x3FAC]  }
0x3d: {  	_ =	shalt  }
0x3e: {  	_ =	shalt  }
0x3f: {  	_ =	shalt  }
0x40: {  	_ =	shalt  }
0x41: {  	_ =	shalt  }
0x42: {  	_ =	shalt  }
0x43: {  	_ =	shalt  }
0x44: {  	_ =	shalt  }
0x45: {  	_ =	shalt  }
0x46: {  	_ =	shalt  }
0x47: {  	_ =	shalt  }
0x48: {  	_ =	shalt  }
0x49: {  	_ =	shalt  }
0x4a: {  	_ =	shalt  }
0x4b: {  	_ =	shalt  }
0x4c: {  	_ =	shalt  }
0x4d: {  	_ =	shalt  }
0x4e: {  	_ =	shalt  }
0x4f: {  	_ =	shalt  }
0x50: {  	_ =	shalt  }
0x51: {  	_ =	shalt  }
0x52: {  	_ =	shalt  }
0x53: {  	_ =	shalt  }
0x54: {  	_ =	shalt  }
0x55: {  	_ =	shalt  }
0x56: {  	_ =	shalt  }
0x57: {  	_ =	shalt  }
0x58: {  	_ =	shalt  }
0x59: {  	_ =	shalt  }
0x5a: {  	_ =	shalt  }
0x5b: {  	_ =	shalt  }
0x5c: {  	_ =	shalt  }
0x5d: {  	_ =	shalt  }
0x5e: {  	_ =	shalt  }
0x5f: {  	_ =	shalt  }
0x60: {  	_ =	shalt  }
0x61: {  	_ =	shalt  }
0x62: {  	_ =	shalt  }
0x63: {  	_ =	shalt  }
0x64: {  	_ =	shalt  }
0x65: {  	_ =	shalt  }
0x66: {  	_ =	shalt  }
0x67: {  	_ =	shalt  }
0x68: {  	_ =	shalt  }
0x69: {  	_ =	shalt  }
0x6a: {  	_ =	shalt  }
0x6b: {  	_ =	shalt  }
0x6c: {  	_ =	shalt  }
0x6d: {  	_ =	shalt  }
0x6e: {  	_ =	shalt  }
0x6f: {  	_ =	shalt  }
0x70: {  	_ =	shalt  }
0x71: {  	_ =	shalt  }
0x72: {  	_ =	shalt  }
0x73: {  	_ =	shalt  }
0x74: {  	_ =	shalt  }
0x75: {  	_ =	shalt  }
0x76: {  	_ =	shalt  }
0x77: {  	_ =	shalt  }
0x78: {  	_ =	shalt  }
0x79: {  	_ =	shalt  }
0x7a: {  	_ =	shalt  }
0x7b: {  	_ =	shalt  }
0x7c: {  	_ =	shalt  }
0x7d: {  	_ =	shalt  }
0x7e: {  	_ =	shalt  }
0x7f: {  	_ =	shalt  }
0x80: {  	_ =	shalt  }
0x81: {  	_ =	shalt  }
0x82: {  	_ =	shalt  }
0x83: {  	_ =	shalt  }
0x84: {  	_ =	shalt  }
0x85: {  	_ =	shalt  }
0x86: {  	_ =	shalt  }
0x87: {  	_ =	shalt  }
.Lfunc_end0:
.L_simem_size_0:
called_computation.1_lowered:
.L_overlay_start_0:
0x88: {  	s2 =	sld [smem:$0x3FD9]  }
0x89: {  	s3 =	sld [smem:$0x3FFE];
	_ =	sdelay $0x1  }
0x8a: {  	s1 =	srdreg.scid  }
0x8b: {  	s0 =	sand.u32 $0x1, s1  }
0x8c: {  	s14 =	sshll.u32 s0, $0xA;
	s2 =	sadd.s32 s3, s2  }
0x8d: {  	s2 =	sadd.s32 s2, s14  }
0x8e: {  	[smem:$0x3FB8] =	sst s2  }
0x8f: {  	_ = 	snop  }
0x90: {  	s2 =	sld [smem:$0x3FD0];
	_ =	sdelay $0x2  }
0x91: {  	s15 =	simm.s32 $0xA;
	s4 =	simm.s32 $0x10  }
0x92: {  	[smem:s4], [sflag:s15] =	dma.local [hbm:s2], $0x1  }
0x93: {  	_ =	swait.eq [sflag:s15], $0x1  }
0x94: {  	[sflag:s15] =	ssyncset.done $0x0  }
0x95: {  	[sflag:s15] =	ssyncadd.s32 $0xFFFFFFFF  }
0x96: {  	s16 =	sld [smem:$0x11];
	(tm) =	ssettm $0x1  }
0x97: {  	s17 =	sld [smem:$0x3FFB];
	_ =	sdelay $0x3  }
0x98: {  	_ =	strace s17  }
0x99: {  	s3 =	sld [smem:$0x3FFC];
	_ =	sdelay $0x3  }
0x9a: {  	_ =	strace s3  }
0x9b: {  	s3 =	sld [smem:$0x3FFD];
	_ =	sdelay $0x3  }
0x9c: {  	_ =	strace s3  }
0x9d: {  	_ =	strace $0x8FFFFFFF  }
0x9e: {  	s18 =	sld [smem:$0x3FDB];
	_ =	sdelay $0x1  }
0x9f: {  	s19 =	simm.s32 $_scs_section_size  }
0xa0: {  	s5 =	simm.s32 $_size__tile_overlayer_lowered;
	s6 =	simm.s32 $_tile_overlayer_lowered  }
0xa1: {  	s22 =	simm.s32 $0x1BFF;
	s21 =	sshll.u32 s6, $0x1;
	s3 =	sadd.s32 s19, s18  }
0xa2: {  	s7 =	simm.s32 $0x0;
	s20 =	sshll.u32 s5, $0x1;
	s5 =	sadd.s32 s21, s3  }
0xa3: {  	[timem:s7], [sflag:s22] =	dma.local [hbm:s5], s20  }
0xa4: {  	_ =	swait.ge [sflag:s22], s20  }
0xa5: {  	s4 =	ssub.s32 $0x0, s20;
	[sflag:s22] =	ssyncset.done $0x0  }
0xa6: {  	[sflag:s22] =	ssyncadd.s32 s4;
	_ =	sdelay $0x1  }
0xa7: {  	s23 =	simm.s32 $0x1B8B  }
0xa8: {  	_ =	swait.ge [sflag:s23], $0x1  }
0xa9: {  	[sflag:s23] =	ssyncset.done $0x0  }
0xaa: {  	s25 =	simm.s32 $0x1B8E;
	s24 =	sld [smem:$0x3FFE];
	[sflag:s23] =	ssyncadd.s32 $0xFFFFFFFF  }
0xab: {  	s26 =	simm.s32 $execute0_lowered;
	[smem:$0x3FD2] =	sst s25  }
0xac: {  	s5 =	sshll.u32 s26, $0x1;
	_ =	strace $0x80000049;
	[dreg:$0x1] =	wrdreg $0xFFFFFFFF  }
0xad: {  	s28 =	simm.s32 $_size_execute0_lowered;
	s3 =	sadd.s32 s3, s5;
	[dreg:$0x0] =	wrdreg $0x0  }
0xae: {  	s5 =	sshll.u32 s28, $0x1;
	[dreg:$0x2] =	wrdreg s3  }
0xaf: {  	[dreg:$0x3] =	wrdreg s5  }
0xb0: {  	[dreg:$0x4] =	wrdreg $0xC0  }
0xb1: {  	_ =	task [dreg:s7], $0x5FFFF  }
0xb2: {  	[dreg:$0x1] =	wrdreg $0xFFFFFFFF  }
0xb3: {  	[dreg:$0x0] =	wrdreg $0x60  }
0xb4: {  	[dreg:$0x2] =	wrdreg s24  }
0xb5: {  	[dreg:$0x3] =	wrdreg s16  }
0xb6: {  	[dreg:$0x4] =	wrdreg $0x9  }
0xb7: {  	_ =	task.clear_ibuf [dreg:s7], $0x5FFFF;
	_ =	strace $0x90000049  }
0xb8: {  	s29 =	simm.s32 $0x9;
	_ =	strace $0x8000004B  }
0xb9: {  	_ =	swait.ge [sflag:s29], $0x1  }
0xba: {  	[sflag:s29] =	ssyncadd.s32 $0xFFFFFFFF  }
0xbb: {  	_ =	strace $0x9000004B  }
0xbc: {  	_ =	sfence  }
0xbd: {  	s30 =	sld [smem:$0x0];
	_ =	sdelay $0x2  }
0xbe: {  	s31 =	sshll.u32 s1, $0xD;
	s1 =	sshrl.u32 s1, $0x2  }
0xbf: {  	s3 =	sand.u32 $0x4000, s31;
	s1 =	sadd.s32 s1, s30  }
0xc0: {  	s0 =	sor.u32 s3, s0;
	s1 =	sshll.u32 s1, $0x11  }
0xc1: {  	s0 =	sor.u32 s1, s0  }
0xc2: {  	s0 =	sadd.s32 $0x8F2B, s0  }
0xc3: {  	[sflag:s0] =	ssyncadd.remote.s32 $0x1  }
0xc4: {  	_ =	sfence.sel $0xFFFF  }
0xc5: {  	[dreg:$0x0] =	wrdreg $0xFFFFFFFF;
	(pc) =	sbr.abs _section_cstart, $3  }
0xc6: {  	[dreg:$0x1] =	wrdreg $0xFFFFFFFF  }
0xc7: {  	_ =	task.clear_ibuf [dreg:s7], $0x2FFFF;
	_ =	strace $0x9FFFFFFF  }
0xc8: {  	(tm) =	ssettm $0x7FFFFFFF  }
0xc9: {  	_ =	shalt  }
tec
execute0_lowered:
.L_overlay_start_1:
0x0: {  	(tag) =	ssettag $0x1  }
0x1: {  	s4 =	rddreg [dreg:$0x0]  }
0x2: {  	s5 =	rddreg [dreg:$0x1]  }
0x3: {  	s0 =	rddreg [dreg:$0x2]  }
0x4: {  	s2 =	simm.s32 $0x0;
	s3 =	srdreg.scid;
	s1 =	stileid.u32  }
0x5: {  	[smem:$0x7FF] =	sst s2;
	s6 =	sand.u32 $0x1, s3;
	s3 =	sadd.s32 $0x5A3400, s4  }
0x6: {  	s7 =	sshll.u32 s1, $0xC;
	s31 =	sshll.u32 s1, $0x5;
	_ =	strace $0x8000004A  }
0x7: {  	s8 =	ssub.s32 $0x2, s6;
	s4 =	sadd.s32 s7, s4;
	s9 =	sshll.u32 s6, $0xB  }
0x8: {  	s10 =	sshll.u32 s6, $0x4;
	s29 =	sshrl.u32 s8, $0x1;
	s30 =	sadd.s32 s9, s4  }
0x9: {  	s4 =	sshll.u32 s1, $0x1;
	s9 =	sadd.s32 s31, s5;
	s7 =	ssub.s32 s8, s29  }
0xa: {  	s6 =	sadd.s32 $0x5CB400, s30;
	s5 =	smax.u32 s7, $0x1;
	s7 =	sadd.s32 s10, s9  }
.LBB2_1:
0xb: {  	s8 =	sadd.s32 $0x0, s4  }
0xc: {  	p0 =	sgt.u32 s8, $0xA4F  }
0xd: {  	s8 =	simm.s32 @!p0 $0x0;
	s9 =	simm.s32 @!p0 $0x3  }
0xe: {  	[tilespmem:s8], [sflag:$0x3] =	stream.linear.gather @!p0 [hbm4b:s7+s8], $0x80, $0x38;
	[tilespmem:$0x4080] =	vst v63  }
0xf: {  	_ =	swait.ge @!p0 [sflag:s9], $0x80  }
0x10: {  	[sflag:s9] =	ssyncset.done @!p0 $0x0;
	p0 =	por p0, p0  }
0x11: {  	[sflag:s9] =	ssyncadd.s32 @!p0 $0xFFFFFF80;
	s10 =	simm.s32 @!p0 $0x80;
	s11 =	simm.s32 @!p0 $0x1  }
0x12: {  	[tilespmem:s10], [sflag:$0x1] =	stream.indirect.gather @!p0 [hbm4b:s3+s10], $0x80, s8, s10, $0xb8;
	[tilespmem:$0x4080] =	vst v63  }
0x13: {  	_ =	swait.ge @!p0 [sflag:s11], $0x4000  }
0x14: {  	[sflag:s11] =	ssyncset.done @!p0 $0x0  }
0x15: {  	s31 =	sadd.s32 $0x20, s4;
	[sflag:s11] =	ssyncadd.s32 @!p0 $0xFFFFC000;
	s11 =	simm.s32 @!p0 $0x2  }
0x16: {  	[hbm4b:s6+s8] =	stream.linear.scatter @!p0 [tilespmem:s10], [sflag:$0x2], $0x4000, $0x38;
	[tilespmem:$0x4080] =	vst v63  }
0x17: {  	p1 =	sgt.u32 s31, $0xA4F;
	s9 =	simm.s32 $0x40;
	_ =	swait.ge @!p0 [sflag:s11], $0x4000  }
0x18: {  	s10 =	sadd.s32 $0x200, s7;
	s8 =	sadd.s32 $0x10000, s6;
	[sflag:s11] =	ssyncset.done @!p0 $0x0  }
.LBB2_2:
0x19: {  	s12 =	simm.s32 @!p1 $0x0;
	s13 =	simm.s32 @!p1 $0x3;
	[sflag:s11] =	ssyncadd.s32 @!p0 $0xFFFFC000  }
0x1a: {  	[tilespmem:s12], [sflag:$0x3] =	stream.linear.gather @!p1 [hbm4b:s10+s12], $0x80, $0x38;
	[tilespmem:$0x4080] =	vst v63  }
0x1b: {  	s14 =	smov.u32 s9;
	s9 =	sadd.s32 $0x20, s9;
	_ =	swait.ge @!p1 [sflag:s13], $0x80  }
0x1c: {  	p0 =	por p1, p1;
	p2 =	sne.s32 s9, $0xA60;
	[sflag:s13] =	ssyncset.done @!p1 $0x0  }
0x1d: {  	s11 =	simm.s32 @!p0 $0x1;
	[sflag:s13] =	ssyncadd.s32 @!p0 $0xFFFFFF80;
	s13 =	simm.s32 @!p0 $0x80  }
0x1e: {  	[tilespmem:s13], [sflag:$0x1] =	stream.indirect.gather @!p0 [hbm4b:s3+s13], $0x80, s12, s13, $0xb8;
	[tilespmem:$0x4080] =	vst v63  }
0x1f: {  	_ =	swait.ge @!p0 [sflag:s11], $0x4000  }
.Ltmp0:
0x20: {  	[sflag:s11] =	ssyncset.done @!p0 $0x0;
	(pc) =	sbr.rel @p2 .LBB2_2-.Ltmp0, $4  }
0x21: {  	[sflag:s11] =	ssyncadd.s32 @!p0 $0xFFFFC000;
	s11 =	simm.s32 @!p0 $0x2  }
0x22: {  	[hbm4b:s8+s12] =	stream.linear.scatter @!p0 [tilespmem:s13], [sflag:$0x2], $0x4000, $0x38;
	[tilespmem:$0x4080] =	vst v63  }
0x23: {  	s10 =	sadd.s32 $0x200, s10;
	s12 =	sadd.s32 s14, s4;
	_ =	swait.ge @!p0 [sflag:s11], $0x4000  }
0x24: {  	s8 =	sadd.s32 $0x10000, s8;
	p1 =	sgt.u32 s12, $0xA4F;
	[sflag:s11] =	ssyncset.done @!p0 $0x0  }
0x25: {  	s9 =	simm.s32 @!p1 $0x0;
	s12 =	simm.s32 @!p1 $0x3;
	[sflag:s11] =	ssyncadd.s32 @!p0 $0xFFFFC000  }
0x26: {  	[tilespmem:s9], [sflag:$0x3] =	stream.linear.gather @!p1 [hbm4b:s10+s9], $0x80, $0x38;
	[tilespmem:$0x4080] =	vst v63  }
0x27: {  	_ =	swait.ge @!p1 [sflag:s12], $0x80  }
0x28: {  	p0 =	por p1, p1;
	[sflag:s12] =	ssyncset.done @!p1 $0x0  }
0x29: {  	s10 =	simm.s32 @!p0 $0x80;
	s11 =	simm.s32 @!p0 $0x1;
	[sflag:s12] =	ssyncadd.s32 @!p0 $0xFFFFFF80  }
0x2a: {  	[tilespmem:s10], [sflag:$0x1] =	stream.indirect.gather @!p0 [hbm4b:s3+s10], $0x80, s9, s10, $0xb8;
	[tilespmem:$0x4080] =	vst v63  }
0x2b: {  	s2 =	sadd.s32 $0x1, s2;
	_ =	swait.ge @!p0 [sflag:s11], $0x4000  }
0x2c: {  	p1 =	sne.s32 s2, s5;
	[sflag:s11] =	ssyncset.done @!p0 $0x0  }
.Ltmp1:
0x2d: {  	[sflag:s11] =	ssyncadd.s32 @!p0 $0xFFFFC000;
	s11 =	simm.s32 @!p0 $0x2;
	(pc) =	sbr.rel @p1 .LBB2_1-.Ltmp1, $4  }
0x2e: {  	[hbm4b:s8+s9] =	stream.linear.scatter @!p0 [tilespmem:s10], [sflag:$0x2], $0x4000, $0x38;
	[tilespmem:$0x4080] =	vst v63  }
0x2f: {  	_ =	swait.ge @!p0 [sflag:s11], $0x4000  }
0x30: {  	[sflag:s11] =	ssyncset.done @!p0 $0x0  }
0x31: {  	[sflag:s11] =	ssyncadd.s32 @!p0 $0xFFFFC000  }
0x32: {  	_ =	sfence.sel $0x180000  }
0x33: {  	[bflag:$0x0] =	sbarrier.arrive $0xFFFF  }
0x34: {  	p0 =	sne.s32 s1, $0x0;
	_ =	strace $0x9000004A  }
0x35: {  	s0 =	sadd.s32 @!p0 $0x100000, s0;
	[bflag:$0x2] =	sbarrier.arrive $0xFFFF  }
0x36: {  	[sflag:s0] =	ssyncadd.tile.s32 @!p0 $0x1;
	_ =	shalt  }
.Lfunc_end2:
_tile_overlayer_lowered:
.L_overlay_start_2:
0x37: {  	(tag) =	ssettag $0x2  }
0x38: {  	s0 =	rddreg [dreg:$0x0];
	s2 =	stileid.u32  }
0x39: {  	s1 =	rddreg [dreg:$0x1];
	p0 =	sne.s32 s2, $0x0  }
0x3a: {  	s3 =	rddreg [dreg:$0x2];
	[bflag:$0x3] =	sbarrier.arrive $0xFFFF;
	s2 =	simm.s32 @!p0 $0x1C02  }
0x3b: {  	[timem:s3], [sflag:s2] =	dma.local @!p0 [hbm:s0], s1  }
0x3c: {  	s0 =	simm.s32 @!p0 $0x2  }
0x3d: {  	_ =	swait.ge @!p0 [sflag:s0], s1  }
0x3e: {  	s1 =	ssub.s32 @!p0 $0x0, s1;
	[sflag:s0] =	ssyncset.done @!p0 $0x0  }
0x3f: {  	[sflag:s0] =	ssyncadd.s32 @!p0 s1  }
0x40: {  	[bflag:$0x3] =	sbarrier.arrive $0xFFFF  }
0x41: {  	_ =	shalt  }

</sc_bundles>
